<compile_context>
chip_gen: v7x
topology: tpu7x:2x2x1
jax: 0.10.2.dev20260603
libtpu: 0.0.44.dev20260713+nightly
codegen_flags: <defaults>
</compile_context>

<pallas_src>
import functools

import jax
import jax.numpy as jnp
from jax import lax
from jax.experimental import pallas as pl
from jax.experimental.pallas import tpu as pltpu
from jax.experimental.pallas import tpu_sc as plsc

N_NODES = 10000
N_EDGES = 320000
F = 128
L = 16

NC = 2
NS = 16
NW = NC * NS

EPW = N_EDGES // NW
CHUNK = 80
NCHUNK = EPW // CHUNK

N_PAD = 10240
ROWS_PER_TILE = N_PAD // NS
ZR = 80
NZC = ROWS_PER_TILE // ZR


def _aggregate_body(src_hbm, dst_hbm, x_hbm, zeros_hbm, part_hbm,
                    sidx_v, didx_v, rows0_v, rows1_v, acc_sh, sem0, sem1):
    c = lax.axis_index("c")
    s = lax.axis_index("s")
    wid = c * NS + s
    rows = (rows0_v, rows1_v)
    sems = (sem0, sem1)

    pltpu.sync_copy(zeros_hbm, rows0_v)
    row0 = s * ROWS_PER_TILE
    for k in range(NZC):
        pltpu.sync_copy(rows0_v, acc_sh.at[pl.ds(row0 + k * ZR, ZR)])
    plsc.subcore_barrier()

    pltpu.sync_copy(src_hbm.at[wid], sidx_v)
    pltpu.sync_copy(dst_hbm.at[wid], didx_v)

    def gather_start(i, b):
        pltpu.async_copy(x_hbm.at[sidx_v.at[i]], rows[b], sems[b])

    def gather_wait(i, b):
        pltpu.make_async_copy(x_hbm.at[sidx_v.at[i]], rows[b],
                              sems[b]).wait()

    def scatter(i, b):
        pltpu.sync_copy(rows[b], acc_sh.at[didx_v.at[i]], add=True)

    gather_start(0, 0)

    def body(j, carry):
        i0 = 2 * j
        gather_start(i0 + 1, 1)
        gather_wait(i0, 0)
        scatter(i0, 0)
        gather_start(i0 + 2, 0)
        gather_wait(i0 + 1, 1)
        scatter(i0 + 1, 1)
        return carry

    lax.fori_loop(0, (NCHUNK - 1) // 2, body, 0)
    gather_wait(NCHUNK - 1, 0)
    scatter(NCHUNK - 1, 0)
    plsc.subcore_barrier()

    for k in range(NZC):
        r = row0 + k * ZR
        pltpu.sync_copy(acc_sh.at[pl.ds(r, ZR)], rows0_v)
        pltpu.sync_copy(rows0_v, part_hbm.at[c, pl.ds(r, ZR)])


def _aggregate(srcidx, dstidx, x, zeros):
    mesh = plsc.VectorSubcoreMesh(core_axis_name="c", subcore_axis_name="s")
    kern = functools.partial(
        pl.kernel,
        out_type=jax.ShapeDtypeStruct((NC, N_PAD, F), jnp.float32),
        mesh=mesh,
        compiler_params=pltpu.CompilerParams(use_tc_tiling_on_sc=False),
        scratch_types=[
            pltpu.VMEM((NCHUNK, CHUNK), jnp.int32),
            pltpu.VMEM((NCHUNK, CHUNK), jnp.int32),
            pltpu.VMEM((CHUNK, F), jnp.float32),
            pltpu.VMEM((CHUNK, F), jnp.float32),
            pltpu.VMEM_SHARED((N_PAD, F), jnp.float32),
            pltpu.SemaphoreType.DMA,
            pltpu.SemaphoreType.DMA,
        ],
    )(_aggregate_body)
    return kern(srcidx, dstidx, x, zeros)


def _combine_matmul_body(p_ref, w_ref, b_ref, o_ref):
    agg = p_ref[0] + p_ref[1]
    o_ref[...] = jnp.dot(agg, w_ref[...],
                         preferred_element_type=jnp.float32) + b_ref[...]


def _combine_matmul(part, w, b):
    grid = 10
    rows = N_NODES // grid
    return pl.pallas_call(
        _combine_matmul_body,
        grid=(grid,),
        in_specs=[
            pl.BlockSpec((NC, rows, F), lambda i: (0, i, 0)),
            pl.BlockSpec((F, F), lambda i: (0, 0)),
            pl.BlockSpec((1, F), lambda i: (0, 0)),
        ],
        out_specs=pl.BlockSpec((rows, F), lambda i: (i, 0)),
        out_shape=jax.ShapeDtypeStruct((N_NODES, F), jnp.float32),
    )(part, w, b.reshape(1, F))


def kernel(input, edge_index, W, b):
    x = input
    ei = edge_index.astype(jnp.int32)
    dst = ei[0].reshape(NW, NCHUNK, CHUNK)
    srci = ei[1].reshape(NW, NCHUNK, CHUNK)
    zeros = jnp.zeros((ZR, F), dtype=jnp.float32)
    part = _aggregate(srci, dst, x, zeros)
    return _combine_matmul(part, W, b)

# --- scband reference (transcript-rebuilt; emitter-appended) ---
"""Pipeline reference for scband-graph-convolution-67044439491107 (READ-ONLY COPY).

The authoritative reference and input builder live on the scoring server;
editing this copy changes nothing except your own understanding.
"""

import jax, jax.numpy as jnp
import numpy as np
import math

N_NODES = 10000
N_EDGES = 320000
IN_F = 128
OUT_F = 128

def setup_inputs(seed: int = 0) -> dict:
    key = jax.random.key(seed)
    k1, k2, k3, k4 = jax.random.split(key, 4)
    x = jax.random.normal(k1, (N_NODES, IN_F), dtype=jnp.float32)
    edge_index = jax.random.randint(k2, (2, N_EDGES), 0, N_NODES, dtype=jnp.int64)
    stdv = 1.0 / math.sqrt(OUT_F)
    W = jax.random.uniform(k3, (IN_F, OUT_F), minval=-stdv, maxval=stdv, dtype=jnp.float32)
    b = jax.random.uniform(k4, (OUT_F,), minval=-stdv, maxval=stdv, dtype=jnp.float32)
    return {"input": x, "edge_index": edge_index, "W": W, "b": b}

def reference(input, edge_index, W, b):
    # support = input @ weight  (dense matmul)
    support = jnp.dot(input, W)
    # output = spmm(adj, support): adj is the (binary) adjacency matrix whose
    # nonzeros are given by edge_index; row = dst, col = src.
    dst = edge_index[0]
    src = edge_index[1]
    gathered = jnp.take(support, src, axis=0)            # gather (SparseCore)
    output = jax.ops.segment_sum(gathered, dst, num_segments=N_NODES)  # scatter-add
    return output + b

if __name__ == "__main__":
    import jax
    _d = setup_inputs()
    print(jax.jit(kernel)(*tuple(_d.values())))

</pallas_src>

<mosaic_0001>
#map = affine_map<(d0, d1) -> (0, 0, 0)>
#map1 = affine_map<(d0, d1) -> (0, 0)>
module attributes {stable_mosaic.version = 14 : i64} {
  func.func @_aggregate_body(%arg0: i32, %arg1: i32, %arg2: memref<32x125x80xi32, #tpu.memory_space<hbm>>, %arg3: memref<32x125x80xi32, #tpu.memory_space<hbm>>, %arg4: memref<10000x128xf32, #tpu.memory_space<hbm>>, %arg5: memref<80x128xf32, #tpu.memory_space<hbm>>, %arg6: memref<2x10240x128xf32, #tpu.memory_space<hbm>>, %arg7: memref<125x80xi32, #tpu.memory_space<vmem>>, %arg8: memref<125x80xi32, #tpu.memory_space<vmem>>, %arg9: memref<80x128xf32, #tpu.memory_space<vmem>>, %arg10: memref<80x128xf32, #tpu.memory_space<vmem>>, %arg11: memref<10240x128xf32, #tpu.memory_space<vmem_shared>>, %arg12: memref<!tpu.dma_semaphore, #tpu.memory_space<semaphore_mem>>, %arg13: memref<!tpu.dma_semaphore, #tpu.memory_space<semaphore_mem>>) attributes {dimension_semantics = [#tpu.dimension_semantics<core_parallel>, #tpu.dimension_semantics<subcore_parallel>], iteration_bounds = array<i64: 2, 16>, scalar_prefetch = 0 : i64, scratch_operands = 7 : i64, tpu.core_type = #tpu.core_type<sc_vector_subcore>, window_params = [{transform_indices = #map}, {transform_indices = #map}, {transform_indices = #map1}, {transform_indices = #map1}, {transform_indices = #map}]} {
    %mul3A = arith.constant 16 : i32
    %mul3A_0 = arith.muli %arg0, %mul3A : i32
    %add3A = arith.addi %mul3A_0, %arg1 : i32
    "tpu.region"() ({
      %run_scoped3A_53 = tpu.sem_alloc : memref<!tpu.dma_semaphore, #tpu.memory_space<semaphore_mem>>
      tpu.enqueue_dma source(%arg5 : memref<80x128xf32, #tpu.memory_space<hbm>>) target(%arg9 : memref<80x128xf32, #tpu.memory_space<vmem>>) target_semaphore(%run_scoped3A_53 : memref<!tpu.dma_semaphore, #tpu.memory_space<semaphore_mem>>)
      tpu.wait_dma2 semaphore(%run_scoped3A_53 : memref<!tpu.dma_semaphore, #tpu.memory_space<semaphore_mem>>) src(%arg5 : memref<80x128xf32, #tpu.memory_space<hbm>>) dst(%arg9 : memref<80x128xf32, #tpu.memory_space<vmem>>)
      tpu.yield
    }) : () -> ()
    %mul3A_1 = arith.constant 640 : i32
    %mul3A_2 = arith.muli %arg1, %mul3A_1 : i32
    %add3A_3 = arith.constant 0 : i32
    %add3A_4 = arith.addi %mul3A_2, %add3A_3 : i32
    "tpu.region"() ({
      %run_scoped3A_53 = tpu.sem_alloc : memref<!tpu.dma_semaphore, #tpu.memory_space<semaphore_mem>>
      %dma_start3A_54 = arith.constant 0 : i32
      %dma_start3A_55 = tpu.memref_slice %arg11[%add3A_4, %dma_start3A_54] : memref<10240x128xf32, #tpu.memory_space<vmem_shared>> -> memref<80x128xf32, #tpu.memory_space<vmem_shared>>
      %dma_start3A_56 = arith.constant 0 : i32
      %dma_start3A_57 = tpu.memref_slice %arg11[%add3A_4, %dma_start3A_56] : memref<10240x128xf32, #tpu.memory_space<vmem_shared>> -> memref<80x128xf32, #tpu.memory_space<vmem_shared>>
      tpu.enqueue_dma source(%arg9 : memref<80x128xf32, #tpu.memory_space<vmem>>) target(%dma_start3A_57 : memref<80x128xf32, #tpu.memory_space<vmem_shared>>) target_semaphore(%run_scoped3A_53 : memref<!tpu.dma_semaphore, #tpu.memory_space<semaphore_mem>>)
      %dma_wait3A_58 = arith.constant 0 : i32
      %dma_wait3A_59 = tpu.memref_slice %arg11[%add3A_4, %dma_wait3A_58] : memref<10240x128xf32, #tpu.memory_space<vmem_shared>> -> memref<80x128xf32, #tpu.memory_space<vmem_shared>>
      %dma_wait3A_60 = arith.constant 0 : i32
      %dma_wait3A_61 = tpu.memref_slice %arg11[%add3A_4, %dma_wait3A_60] : memref<10240x128xf32, #tpu.memory_space<vmem_shared>> -> memref<80x128xf32, #tpu.memory_space<vmem_shared>>
      tpu.wait_dma2 semaphore(%run_scoped3A_53 : memref<!tpu.dma_semaphore, #tpu.memory_space<semaphore_mem>>) src(%arg9 : memref<80x128xf32, #tpu.memory_space<vmem>>) dst(%dma_wait3A_61 : memref<80x128xf32, #tpu.memory_space<vmem_shared>>)
      tpu.yield
    }) : () -> ()
    %add3A_5 = arith.constant 80 : i32
    %add3A_6 = arith.addi %mul3A_2, %add3A_5 : i32
    "tpu.region"() ({
      %run_scoped3A_53 = tpu.sem_alloc : memref<!tpu.dma_semaphore, #tpu.memory_space<semaphore_mem>>
      %dma_start3A_54 = arith.constant 0 : i32
      %dma_start3A_55 = tpu.memref_slice %arg11[%add3A_6, %dma_start3A_54] : memref<10240x128xf32, #tpu.memory_space<vmem_shared>> -> memref<80x128xf32, #tpu.memory_space<vmem_shared>>
      %dma_start3A_56 = arith.constant 0 : i32
      %dma_start3A_57 = tpu.memref_slice %arg11[%add3A_6, %dma_start3A_56] : memref<10240x128xf32, #tpu.memory_space<vmem_shared>> -> memref<80x128xf32, #tpu.memory_space<vmem_shared>>
      tpu.enqueue_dma source(%arg9 : memref<80x128xf32, #tpu.memory_space<vmem>>) target(%dma_start3A_57 : memref<80x128xf32, #tpu.memory_space<vmem_shared>>) target_semaphore(%run_scoped3A_53 : memref<!tpu.dma_semaphore, #tpu.memory_space<semaphore_mem>>)
      %dma_wait3A_58 = arith.constant 0 : i32
      %dma_wait3A_59 = tpu.memref_slice %arg11[%add3A_6, %dma_wait3A_58] : memref<10240x128xf32, #tpu.memory_space<vmem_shared>> -> memref<80x128xf32, #tpu.memory_space<vmem_shared>>
      %dma_wait3A_60 = arith.constant 0 : i32
      %dma_wait3A_61 = tpu.memref_slice %arg11[%add3A_6, %dma_wait3A_60] : memref<10240x128xf32, #tpu.memory_space<vmem_shared>> -> memref<80x128xf32, #tpu.memory_space<vmem_shared>>
      tpu.wait_dma2 semaphore(%run_scoped3A_53 : memref<!tpu.dma_semaphore, #tpu.memory_space<semaphore_mem>>) src(%arg9 : memref<80x128xf32, #tpu.memory_space<vmem>>) dst(%dma_wait3A_61 : memref<80x128xf32, #tpu.memory_space<vmem_shared>>)
      tpu.yield
    }) : () -> ()
    %add3A_7 = arith.constant 160 : i32
    %add3A_8 = arith.addi %mul3A_2, %add3A_7 : i32
    "tpu.region"() ({
      %run_scoped3A_53 = tpu.sem_alloc : memref<!tpu.dma_semaphore, #tpu.memory_space<semaphore_mem>>
      %dma_start3A_54 = arith.constant 0 : i32
      %dma_start3A_55 = tpu.memref_slice %arg11[%add3A_8, %dma_start3A_54] : memref<10240x128xf32, #tpu.memory_space<vmem_shared>> -> memref<80x128xf32, #tpu.memory_space<vmem_shared>>
      %dma_start3A_56 = arith.constant 0 : i32
      %dma_start3A_57 = tpu.memref_slice %arg11[%add3A_8, %dma_start3A_56] : memref<10240x128xf32, #tpu.memory_space<vmem_shared>> -> memref<80x128xf32, #tpu.memory_space<vmem_shared>>
      tpu.enqueue_dma source(%arg9 : memref<80x128xf32, #tpu.memory_space<vmem>>) target(%dma_start3A_57 : memref<80x128xf32, #tpu.memory_space<vmem_shared>>) target_semaphore(%run_scoped3A_53 : memref<!tpu.dma_semaphore, #tpu.memory_space<semaphore_mem>>)
      %dma_wait3A_58 = arith.constant 0 : i32
      %dma_wait3A_59 = tpu.memref_slice %arg11[%add3A_8, %dma_wait3A_58] : memref<10240x128xf32, #tpu.memory_space<vmem_shared>> -> memref<80x128xf32, #tpu.memory_space<vmem_shared>>
      %dma_wait3A_60 = arith.constant 0 : i32
      %dma_wait3A_61 = tpu.memref_slice %arg11[%add3A_8, %dma_wait3A_60] : memref<10240x128xf32, #tpu.memory_space<vmem_shared>> -> memref<80x128xf32, #tpu.memory_space<vmem_shared>>
      tpu.wait_dma2 semaphore(%run_scoped3A_53 : memref<!tpu.dma_semaphore, #tpu.memory_space<semaphore_mem>>) src(%arg9 : memref<80x128xf32, #tpu.memory_space<vmem>>) dst(%dma_wait3A_61 : memref<80x128xf32, #tpu.memory_space<vmem_shared>>)
      tpu.yield
    }) : () -> ()
    %add3A_9 = arith.constant 240 : i32
    %add3A_10 = arith.addi %mul3A_2, %add3A_9 : i32
    "tpu.region"() ({
      %run_scoped3A_53 = tpu.sem_alloc : memref<!tpu.dma_semaphore, #tpu.memory_space<semaphore_mem>>
      %dma_start3A_54 = arith.constant 0 : i32
      %dma_start3A_55 = tpu.memref_slice %arg11[%add3A_10, %dma_start3A_54] : memref<10240x128xf32, #tpu.memory_space<vmem_shared>> -> memref<80x128xf32, #tpu.memory_space<vmem_shared>>
      %dma_start3A_56 = arith.constant 0 : i32
      %dma_start3A_57 = tpu.memref_slice %arg11[%add3A_10, %dma_start3A_56] : memref<10240x128xf32, #tpu.memory_space<vmem_shared>> -> memref<80x128xf32, #tpu.memory_space<vmem_shared>>
      tpu.enqueue_dma source(%arg9 : memref<80x128xf32, #tpu.memory_space<vmem>>) target(%dma_start3A_57 : memref<80x128xf32, #tpu.memory_space<vmem_shared>>) target_semaphore(%run_scoped3A_53 : memref<!tpu.dma_semaphore, #tpu.memory_space<semaphore_mem>>)
      %dma_wait3A_58 = arith.constant 0 : i32
      %dma_wait3A_59 = tpu.memref_slice %arg11[%add3A_10, %dma_wait3A_58] : memref<10240x128xf32, #tpu.memory_space<vmem_shared>> -> memref<80x128xf32, #tpu.memory_space<vmem_shared>>
      %dma_wait3A_60 = arith.constant 0 : i32
      %dma_wait3A_61 = tpu.memref_slice %arg11[%add3A_10, %dma_wait3A_60] : memref<10240x128xf32, #tpu.memory_space<vmem_shared>> -> memref<80x128xf32, #tpu.memory_space<vmem_shared>>
      tpu.wait_dma2 semaphore(%run_scoped3A_53 : memref<!tpu.dma_semaphore, #tpu.memory_space<semaphore_mem>>) src(%arg9 : memref<80x128xf32, #tpu.memory_space<vmem>>) dst(%dma_wait3A_61 : memref<80x128xf32, #tpu.memory_space<vmem_shared>>)
      tpu.yield
    }) : () -> ()
    %add3A_11 = arith.constant 320 : i32
    %add3A_12 = arith.addi %mul3A_2, %add3A_11 : i32
    "tpu.region"() ({
      %run_scoped3A_53 = tpu.sem_alloc : memref<!tpu.dma_semaphore, #tpu.memory_space<semaphore_mem>>
      %dma_start3A_54 = arith.constant 0 : i32
      %dma_start3A_55 = tpu.memref_slice %arg11[%add3A_12, %dma_start3A_54] : memref<10240x128xf32, #tpu.memory_space<vmem_shared>> -> memref<80x128xf32, #tpu.memory_space<vmem_shared>>
      %dma_start3A_56 = arith.constant 0 : i32
      %dma_start3A_57 = tpu.memref_slice %arg11[%add3A_12, %dma_start3A_56] : memref<10240x128xf32, #tpu.memory_space<vmem_shared>> -> memref<80x128xf32, #tpu.memory_space<vmem_shared>>
      tpu.enqueue_dma source(%arg9 : memref<80x128xf32, #tpu.memory_space<vmem>>) target(%dma_start3A_57 : memref<80x128xf32, #tpu.memory_space<vmem_shared>>) target_semaphore(%run_scoped3A_53 : memref<!tpu.dma_semaphore, #tpu.memory_space<semaphore_mem>>)
      %dma_wait3A_58 = arith.constant 0 : i32
      %dma_wait3A_59 = tpu.memref_slice %arg11[%add3A_12, %dma_wait3A_58] : memref<10240x128xf32, #tpu.memory_space<vmem_shared>> -> memref<80x128xf32, #tpu.memory_space<vmem_shared>>
      %dma_wait3A_60 = arith.constant 0 : i32
      %dma_wait3A_61 = tpu.memref_slice %arg11[%add3A_12, %dma_wait3A_60] : memref<10240x128xf32, #tpu.memory_space<vmem_shared>> -> memref<80x128xf32, #tpu.memory_space<vmem_shared>>
      tpu.wait_dma2 semaphore(%run_scoped3A_53 : memref<!tpu.dma_semaphore, #tpu.memory_space<semaphore_mem>>) src(%arg9 : memref<80x128xf32, #tpu.memory_space<vmem>>) dst(%dma_wait3A_61 : memref<80x128xf32, #tpu.memory_space<vmem_shared>>)
      tpu.yield
    }) : () -> ()
    %add3A_13 = arith.constant 400 : i32
    %add3A_14 = arith.addi %mul3A_2, %add3A_13 : i32
    "tpu.region"() ({
      %run_scoped3A_53 = tpu.sem_alloc : memref<!tpu.dma_semaphore, #tpu.memory_space<semaphore_mem>>
      %dma_start3A_54 = arith.constant 0 : i32
      %dma_start3A_55 = tpu.memref_slice %arg11[%add3A_14, %dma_start3A_54] : memref<10240x128xf32, #tpu.memory_space<vmem_shared>> -> memref<80x128xf32, #tpu.memory_space<vmem_shared>>
      %dma_start3A_56 = arith.constant 0 : i32
      %dma_start3A_57 = tpu.memref_slice %arg11[%add3A_14, %dma_start3A_56] : memref<10240x128xf32, #tpu.memory_space<vmem_shared>> -> memref<80x128xf32, #tpu.memory_space<vmem_shared>>
      tpu.enqueue_dma source(%arg9 : memref<80x128xf32, #tpu.memory_space<vmem>>) target(%dma_start3A_57 : memref<80x128xf32, #tpu.memory_space<vmem_shared>>) target_semaphore(%run_scoped3A_53 : memref<!tpu.dma_semaphore, #tpu.memory_space<semaphore_mem>>)
      %dma_wait3A_58 = arith.constant 0 : i32
      %dma_wait3A_59 = tpu.memref_slice %arg11[%add3A_14, %dma_wait3A_58] : memref<10240x128xf32, #tpu.memory_space<vmem_shared>> -> memref<80x128xf32, #tpu.memory_space<vmem_shared>>
      %dma_wait3A_60 = arith.constant 0 : i32
      %dma_wait3A_61 = tpu.memref_slice %arg11[%add3A_14, %dma_wait3A_60] : memref<10240x128xf32, #tpu.memory_space<vmem_shared>> -> memref<80x128xf32, #tpu.memory_space<vmem_shared>>
      tpu.wait_dma2 semaphore(%run_scoped3A_53 : memref<!tpu.dma_semaphore, #tpu.memory_space<semaphore_mem>>) src(%arg9 : memref<80x128xf32, #tpu.memory_space<vmem>>) dst(%dma_wait3A_61 : memref<80x128xf32, #tpu.memory_space<vmem_shared>>)
      tpu.yield
    }) : () -> ()
    %add3A_15 = arith.constant 480 : i32
    %add3A_16 = arith.addi %mul3A_2, %add3A_15 : i32
    "tpu.region"() ({
      %run_scoped3A_53 = tpu.sem_alloc : memref<!tpu.dma_semaphore, #tpu.memory_space<semaphore_mem>>
      %dma_start3A_54 = arith.constant 0 : i32
      %dma_start3A_55 = tpu.memref_slice %arg11[%add3A_16, %dma_start3A_54] : memref<10240x128xf32, #tpu.memory_space<vmem_shared>> -> memref<80x128xf32, #tpu.memory_space<vmem_shared>>
      %dma_start3A_56 = arith.constant 0 : i32
      %dma_start3A_57 = tpu.memref_slice %arg11[%add3A_16, %dma_start3A_56] : memref<10240x128xf32, #tpu.memory_space<vmem_shared>> -> memref<80x128xf32, #tpu.memory_space<vmem_shared>>
      tpu.enqueue_dma source(%arg9 : memref<80x128xf32, #tpu.memory_space<vmem>>) target(%dma_start3A_57 : memref<80x128xf32, #tpu.memory_space<vmem_shared>>) target_semaphore(%run_scoped3A_53 : memref<!tpu.dma_semaphore, #tpu.memory_space<semaphore_mem>>)
      %dma_wait3A_58 = arith.constant 0 : i32
      %dma_wait3A_59 = tpu.memref_slice %arg11[%add3A_16, %dma_wait3A_58] : memref<10240x128xf32, #tpu.memory_space<vmem_shared>> -> memref<80x128xf32, #tpu.memory_space<vmem_shared>>
      %dma_wait3A_60 = arith.constant 0 : i32
      %dma_wait3A_61 = tpu.memref_slice %arg11[%add3A_16, %dma_wait3A_60] : memref<10240x128xf32, #tpu.memory_space<vmem_shared>> -> memref<80x128xf32, #tpu.memory_space<vmem_shared>>
      tpu.wait_dma2 semaphore(%run_scoped3A_53 : memref<!tpu.dma_semaphore, #tpu.memory_space<semaphore_mem>>) src(%arg9 : memref<80x128xf32, #tpu.memory_space<vmem>>) dst(%dma_wait3A_61 : memref<80x128xf32, #tpu.memory_space<vmem_shared>>)
      tpu.yield
    }) : () -> ()
    %add3A_17 = arith.constant 560 : i32
    %add3A_18 = arith.addi %mul3A_2, %add3A_17 : i32
    "tpu.region"() ({
      %run_scoped3A_53 = tpu.sem_alloc : memref<!tpu.dma_semaphore, #tpu.memory_space<semaphore_mem>>
      %dma_start3A_54 = arith.constant 0 : i32
      %dma_start3A_55 = tpu.memref_slice %arg11[%add3A_18, %dma_start3A_54] : memref<10240x128xf32, #tpu.memory_space<vmem_shared>> -> memref<80x128xf32, #tpu.memory_space<vmem_shared>>
      %dma_start3A_56 = arith.constant 0 : i32
      %dma_start3A_57 = tpu.memref_slice %arg11[%add3A_18, %dma_start3A_56] : memref<10240x128xf32, #tpu.memory_space<vmem_shared>> -> memref<80x128xf32, #tpu.memory_space<vmem_shared>>
      tpu.enqueue_dma source(%arg9 : memref<80x128xf32, #tpu.memory_space<vmem>>) target(%dma_start3A_57 : memref<80x128xf32, #tpu.memory_space<vmem_shared>>) target_semaphore(%run_scoped3A_53 : memref<!tpu.dma_semaphore, #tpu.memory_space<semaphore_mem>>)
      %dma_wait3A_58 = arith.constant 0 : i32
      %dma_wait3A_59 = tpu.memref_slice %arg11[%add3A_18, %dma_wait3A_58] : memref<10240x128xf32, #tpu.memory_space<vmem_shared>> -> memref<80x128xf32, #tpu.memory_space<vmem_shared>>
      %dma_wait3A_60 = arith.constant 0 : i32
      %dma_wait3A_61 = tpu.memref_slice %arg11[%add3A_18, %dma_wait3A_60] : memref<10240x128xf32, #tpu.memory_space<vmem_shared>> -> memref<80x128xf32, #tpu.memory_space<vmem_shared>>
      tpu.wait_dma2 semaphore(%run_scoped3A_53 : memref<!tpu.dma_semaphore, #tpu.memory_space<semaphore_mem>>) src(%arg9 : memref<80x128xf32, #tpu.memory_space<vmem>>) dst(%dma_wait3A_61 : memref<80x128xf32, #tpu.memory_space<vmem_shared>>)
      tpu.yield
    }) : () -> ()
    %barrier3A = arith.constant 0 : index
    tpu.barrier barrier_id(%barrier3A)
    "tpu.region"() ({
      %run_scoped3A_53 = tpu.sem_alloc : memref<!tpu.dma_semaphore, #tpu.memory_space<semaphore_mem>>
      %dma_start3A_54 = arith.constant 0 : i32
      %dma_start3A_55 = arith.constant 0 : i32
      %dma_start3A_56 = tpu.memref_slice %arg2[%add3A, %dma_start3A_54, %dma_start3A_55] : memref<32x125x80xi32, #tpu.memory_space<hbm>> -> memref<1x125x80xi32, #tpu.memory_space<hbm>>
      %dma_start3A_57 = tpu.memref_squeeze %dma_start3A_56 : memref<1x125x80xi32, #tpu.memory_space<hbm>> -> memref<125x80xi32, #tpu.memory_space<hbm>>
      %dma_start3A_58 = arith.constant 0 : i32
      %dma_start3A_59 = arith.constant 0 : i32
      %dma_start3A_60 = tpu.memref_slice %arg2[%add3A, %dma_start3A_58, %dma_start3A_59] : memref<32x125x80xi32, #tpu.memory_space<hbm>> -> memref<1x125x80xi32, #tpu.memory_space<hbm>>
      %dma_start3A_61 = tpu.memref_squeeze %dma_start3A_60 : memref<1x125x80xi32, #tpu.memory_space<hbm>> -> memref<125x80xi32, #tpu.memory_space<hbm>>
      tpu.enqueue_dma source(%dma_start3A_61 : memref<125x80xi32, #tpu.memory_space<hbm>>) target(%arg7 : memref<125x80xi32, #tpu.memory_space<vmem>>) target_semaphore(%run_scoped3A_53 : memref<!tpu.dma_semaphore, #tpu.memory_space<semaphore_mem>>)
      %dma_wait3A_62 = arith.constant 0 : i32
      %dma_wait3A_63 = arith.constant 0 : i32
      %dma_wait3A_64 = tpu.memref_slice %arg2[%add3A, %dma_wait3A_62, %dma_wait3A_63] : memref<32x125x80xi32, #tpu.memory_space<hbm>> -> memref<1x125x80xi32, #tpu.memory_space<hbm>>
      %dma_wait3A_65 = tpu.memref_squeeze %dma_wait3A_64 : memref<1x125x80xi32, #tpu.memory_space<hbm>> -> memref<125x80xi32, #tpu.memory_space<hbm>>
      %dma_wait3A_66 = arith.constant 0 : i32
      %dma_wait3A_67 = arith.constant 0 : i32
      %dma_wait3A_68 = tpu.memref_slice %arg2[%add3A, %dma_wait3A_66, %dma_wait3A_67] : memref<32x125x80xi32, #tpu.memory_space<hbm>> -> memref<1x125x80xi32, #tpu.memory_space<hbm>>
      %dma_wait3A_69 = tpu.memref_squeeze %dma_wait3A_68 : memref<1x125x80xi32, #tpu.memory_space<hbm>> -> memref<125x80xi32, #tpu.memory_space<hbm>>
      tpu.wait_dma2 semaphore(%run_scoped3A_53 : memref<!tpu.dma_semaphore, #tpu.memory_space<semaphore_mem>>) src(%dma_wait3A_69 : memref<125x80xi32, #tpu.memory_space<hbm>>) dst(%arg7 : memref<125x80xi32, #tpu.memory_space<vmem>>)
      tpu.yield
    }) : () -> ()
    "tpu.region"() ({
      %run_scoped3A_53 = tpu.sem_alloc : memref<!tpu.dma_semaphore, #tpu.memory_space<semaphore_mem>>
      %dma_start3A_54 = arith.constant 0 : i32
      %dma_start3A_55 = arith.constant 0 : i32
      %dma_start3A_56 = tpu.memref_slice %arg3[%add3A, %dma_start3A_54, %dma_start3A_55] : memref<32x125x80xi32, #tpu.memory_space<hbm>> -> memref<1x125x80xi32, #tpu.memory_space<hbm>>
      %dma_start3A_57 = tpu.memref_squeeze %dma_start3A_56 : memref<1x125x80xi32, #tpu.memory_space<hbm>> -> memref<125x80xi32, #tpu.memory_space<hbm>>
      %dma_start3A_58 = arith.constant 0 : i32
      %dma_start3A_59 = arith.constant 0 : i32
      %dma_start3A_60 = tpu.memref_slice %arg3[%add3A, %dma_start3A_58, %dma_start3A_59] : memref<32x125x80xi32, #tpu.memory_space<hbm>> -> memref<1x125x80xi32, #tpu.memory_space<hbm>>
      %dma_start3A_61 = tpu.memref_squeeze %dma_start3A_60 : memref<1x125x80xi32, #tpu.memory_space<hbm>> -> memref<125x80xi32, #tpu.memory_space<hbm>>
      tpu.enqueue_dma source(%dma_start3A_61 : memref<125x80xi32, #tpu.memory_space<hbm>>) target(%arg8 : memref<125x80xi32, #tpu.memory_space<vmem>>) target_semaphore(%run_scoped3A_53 : memref<!tpu.dma_semaphore, #tpu.memory_space<semaphore_mem>>)
      %dma_wait3A_62 = arith.constant 0 : i32
      %dma_wait3A_63 = arith.constant 0 : i32
      %dma_wait3A_64 = tpu.memref_slice %arg3[%add3A, %dma_wait3A_62, %dma_wait3A_63] : memref<32x125x80xi32, #tpu.memory_space<hbm>> -> memref<1x125x80xi32, #tpu.memory_space<hbm>>
      %dma_wait3A_65 = tpu.memref_squeeze %dma_wait3A_64 : memref<1x125x80xi32, #tpu.memory_space<hbm>> -> memref<125x80xi32, #tpu.memory_space<hbm>>
      %dma_wait3A_66 = arith.constant 0 : i32
      %dma_wait3A_67 = arith.constant 0 : i32
      %dma_wait3A_68 = tpu.memref_slice %arg3[%add3A, %dma_wait3A_66, %dma_wait3A_67] : memref<32x125x80xi32, #tpu.memory_space<hbm>> -> memref<1x125x80xi32, #tpu.memory_space<hbm>>
      %dma_wait3A_69 = tpu.memref_squeeze %dma_wait3A_68 : memref<1x125x80xi32, #tpu.memory_space<hbm>> -> memref<125x80xi32, #tpu.memory_space<hbm>>
      tpu.wait_dma2 semaphore(%run_scoped3A_53 : memref<!tpu.dma_semaphore, #tpu.memory_space<semaphore_mem>>) src(%dma_wait3A_69 : memref<125x80xi32, #tpu.memory_space<hbm>>) dst(%arg8 : memref<125x80xi32, #tpu.memory_space<vmem>>)
      tpu.yield
    }) : () -> ()
    %dma_start3A = arith.constant 0 : i32
    %dma_start3A_19 = arith.constant 0 : i32
    %dma_start3A_20 = tpu.memref_slice %arg7[%dma_start3A, %dma_start3A_19] : memref<125x80xi32, #tpu.memory_space<vmem>> -> memref<1x80xi32, #tpu.memory_space<vmem>>
    %dma_start3A_21 = tpu.memref_squeeze %dma_start3A_20 : memref<1x80xi32, #tpu.memory_space<vmem>> -> memref<80xi32, #tpu.memory_space<vmem>>
    %dma_start3A_22 = arith.constant 0 : i32
    %dma_start3A_23 = arith.constant 0 : i32
    %dma_start3A_24 = tpu.memref_slice %arg4[%dma_start3A_22, %dma_start3A_23] : memref<10000x128xf32, #tpu.memory_space<hbm>> -> memref<10000x128xf32, #tpu.memory_space<hbm>>
    tpu.enqueue_indirect_dma source(%dma_start3A_24 : memref<10000x128xf32, #tpu.memory_space<hbm>>) target(%arg9 : memref<80x128xf32, #tpu.memory_space<vmem>>) offsets(%dma_start3A_21 : memref<80xi32, #tpu.memory_space<vmem>>) semaphore(%arg12 : memref<!tpu.dma_semaphore, #tpu.memory_space<semaphore_mem>>)
    %scan3A = arith.constant 0 : i32
    %scan3A_25 = arith.constant 0 : i32
    %scan3A_26 = arith.constant 62 : i32
    %scan3A_27 = arith.addi %scan3A_25, %scan3A_26 : i32
    %scan3A_28 = arith.constant 1 : i32
    scf.for %scan3A_53 = %scan3A_25 to %scan3A_27 step %scan3A_28  : i32 {
      %mul3A_54 = arith.constant 2 : i32
      %mul3A_55 = arith.muli %mul3A_54, %scan3A_53 : i32
      %add3A_56 = arith.constant 1 : i32
      %add3A_57 = arith.addi %mul3A_55, %add3A_56 : i32
      %dma_start3A_58 = arith.constant 0 : i32
      %dma_start3A_59 = tpu.memref_slice %arg7[%add3A_57, %dma_start3A_58] : memref<125x80xi32, #tpu.memory_space<vmem>> -> memref<1x80xi32, #tpu.memory_space<vmem>>
      %dma_start3A_60 = tpu.memref_squeeze %dma_start3A_59 : memref<1x80xi32, #tpu.memory_space<vmem>> -> memref<80xi32, #tpu.memory_space<vmem>>
      %dma_start3A_61 = arith.constant 0 : i32
      %dma_start3A_62 = arith.constant 0 : i32
      %dma_start3A_63 = tpu.memref_slice %arg4[%dma_start3A_61, %dma_start3A_62] : memref<10000x128xf32, #tpu.memory_space<hbm>> -> memref<10000x128xf32, #tpu.memory_space<hbm>>
      tpu.enqueue_indirect_dma source(%dma_start3A_63 : memref<10000x128xf32, #tpu.memory_space<hbm>>) target(%arg10 : memref<80x128xf32, #tpu.memory_space<vmem>>) offsets(%dma_start3A_60 : memref<80xi32, #tpu.memory_space<vmem>>) semaphore(%arg13 : memref<!tpu.dma_semaphore, #tpu.memory_space<semaphore_mem>>)
      %dma_wait3A_64 = arith.constant 0 : i32
      %dma_wait3A_65 = tpu.memref_slice %arg7[%mul3A_55, %dma_wait3A_64] : memref<125x80xi32, #tpu.memory_space<vmem>> -> memref<1x80xi32, #tpu.memory_space<vmem>>
      %dma_wait3A_66 = tpu.memref_squeeze %dma_wait3A_65 : memref<1x80xi32, #tpu.memory_space<vmem>> -> memref<80xi32, #tpu.memory_space<vmem>>
      %dma_wait3A_67 = arith.constant 0 : i32
      %dma_wait3A_68 = arith.constant 0 : i32
      %dma_wait3A_69 = tpu.memref_slice %arg4[%dma_wait3A_67, %dma_wait3A_68] : memref<10000x128xf32, #tpu.memory_space<hbm>> -> memref<10000x128xf32, #tpu.memory_space<hbm>>
      tpu.wait_indirect_dma semaphore(%arg12 : memref<!tpu.dma_semaphore, #tpu.memory_space<semaphore_mem>>) src(%dma_wait3A_69 : memref<10000x128xf32, #tpu.memory_space<hbm>>) dst(%arg9 : memref<80x128xf32, #tpu.memory_space<vmem>>)
      "tpu.region"() ({
        %run_scoped3A_88 = tpu.sem_alloc : memref<!tpu.dma_semaphore, #tpu.memory_space<semaphore_mem>>
        %dma_start3A_89 = arith.constant 0 : i32
        %dma_start3A_90 = tpu.memref_slice %arg8[%mul3A_55, %dma_start3A_89] : memref<125x80xi32, #tpu.memory_space<vmem>> -> memref<1x80xi32, #tpu.memory_space<vmem>>
        %dma_start3A_91 = tpu.memref_squeeze %dma_start3A_90 : memref<1x80xi32, #tpu.memory_space<vmem>> -> memref<80xi32, #tpu.memory_space<vmem>>
        %dma_start3A_92 = arith.constant 0 : i32
        %dma_start3A_93 = arith.constant 0 : i32
        %dma_start3A_94 = tpu.memref_slice %arg11[%dma_start3A_92, %dma_start3A_93] : memref<10240x128xf32, #tpu.memory_space<vmem_shared>> -> memref<10240x128xf32, #tpu.memory_space<vmem_shared>>
        tpu.enqueue_indirect_dma source(%arg9 : memref<80x128xf32, #tpu.memory_space<vmem>>) target(%dma_start3A_94 : memref<10240x128xf32, #tpu.memory_space<vmem_shared>>) offsets(%dma_start3A_91 : memref<80xi32, #tpu.memory_space<vmem>>) semaphore(%run_scoped3A_88 : memref<!tpu.dma_semaphore, #tpu.memory_space<semaphore_mem>>) {add = true}
        %dma_wait3A_95 = arith.constant 0 : i32
        %dma_wait3A_96 = tpu.memref_slice %arg8[%mul3A_55, %dma_wait3A_95] : memref<125x80xi32, #tpu.memory_space<vmem>> -> memref<1x80xi32, #tpu.memory_space<vmem>>
        %dma_wait3A_97 = tpu.memref_squeeze %dma_wait3A_96 : memref<1x80xi32, #tpu.memory_space<vmem>> -> memref<80xi32, #tpu.memory_space<vmem>>
        %dma_wait3A_98 = arith.constant 0 : i32
        %dma_wait3A_99 = arith.constant 0 : i32
        %dma_wait3A_100 = tpu.memref_slice %arg11[%dma_wait3A_98, %dma_wait3A_99] : memref<10240x128xf32, #tpu.memory_space<vmem_shared>> -> memref<10240x128xf32, #tpu.memory_space<vmem_shared>>
        tpu.wait_indirect_dma semaphore(%run_scoped3A_88 : memref<!tpu.dma_semaphore, #tpu.memory_space<semaphore_mem>>) src(%arg9 : memref<80x128xf32, #tpu.memory_space<vmem>>) dst(%dma_wait3A_100 : memref<10240x128xf32, #tpu.memory_space<vmem_shared>>)
        tpu.yield
      }) : () -> ()
      %add3A_70 = arith.constant 2 : i32
      %add3A_71 = arith.addi %mul3A_55, %add3A_70 : i32
      %dma_start3A_72 = arith.constant 0 : i32
      %dma_start3A_73 = tpu.memref_slice %arg7[%add3A_71, %dma_start3A_72] : memref<125x80xi32, #tpu.memory_space<vmem>> -> memref<1x80xi32, #tpu.memory_space<vmem>>
      %dma_start3A_74 = tpu.memref_squeeze %dma_start3A_73 : memref<1x80xi32, #tpu.memory_space<vmem>> -> memref<80xi32, #tpu.memory_space<vmem>>
      %dma_start3A_75 = arith.constant 0 : i32
      %dma_start3A_76 = arith.constant 0 : i32
      %dma_start3A_77 = tpu.memref_slice %arg4[%dma_start3A_75, %dma_start3A_76] : memref<10000x128xf32, #tpu.memory_space<hbm>> -> memref<10000x128xf32, #tpu.memory_space<hbm>>
      tpu.enqueue_indirect_dma source(%dma_start3A_77 : memref<10000x128xf32, #tpu.memory_space<hbm>>) target(%arg9 : memref<80x128xf32, #tpu.memory_space<vmem>>) offsets(%dma_start3A_74 : memref<80xi32, #tpu.memory_space<vmem>>) semaphore(%arg12 : memref<!tpu.dma_semaphore, #tpu.memory_space<semaphore_mem>>)
      %add3A_78 = arith.constant 1 : i32
      %add3A_79 = arith.addi %mul3A_55, %add3A_78 : i32
      %dma_wait3A_80 = arith.constant 0 : i32
      %dma_wait3A_81 = tpu.memref_slice %arg7[%add3A_79, %dma_wait3A_80] : memref<125x80xi32, #tpu.memory_space<vmem>> -> memref<1x80xi32, #tpu.memory_space<vmem>>
      %dma_wait3A_82 = tpu.memref_squeeze %dma_wait3A_81 : memref<1x80xi32, #tpu.memory_space<vmem>> -> memref<80xi32, #tpu.memory_space<vmem>>
      %dma_wait3A_83 = arith.constant 0 : i32
      %dma_wait3A_84 = arith.constant 0 : i32
      %dma_wait3A_85 = tpu.memref_slice %arg4[%dma_wait3A_83, %dma_wait3A_84] : memref<10000x128xf32, #tpu.memory_space<hbm>> -> memref<10000x128xf32, #tpu.memory_space<hbm>>
      tpu.wait_indirect_dma semaphore(%arg13 : memref<!tpu.dma_semaphore, #tpu.memory_space<semaphore_mem>>) src(%dma_wait3A_85 : memref<10000x128xf32, #tpu.memory_space<hbm>>) dst(%arg10 : memref<80x128xf32, #tpu.memory_space<vmem>>)
      %add3A_86 = arith.constant 1 : i32
      %add3A_87 = arith.addi %mul3A_55, %add3A_86 : i32
      "tpu.region"() ({
        %run_scoped3A_88 = tpu.sem_alloc : memref<!tpu.dma_semaphore, #tpu.memory_space<semaphore_mem>>
        %dma_start3A_89 = arith.constant 0 : i32
        %dma_start3A_90 = tpu.memref_slice %arg8[%add3A_87, %dma_start3A_89] : memref<125x80xi32, #tpu.memory_space<vmem>> -> memref<1x80xi32, #tpu.memory_space<vmem>>
        %dma_start3A_91 = tpu.memref_squeeze %dma_start3A_90 : memref<1x80xi32, #tpu.memory_space<vmem>> -> memref<80xi32, #tpu.memory_space<vmem>>
        %dma_start3A_92 = arith.constant 0 : i32
        %dma_start3A_93 = arith.constant 0 : i32
        %dma_start3A_94 = tpu.memref_slice %arg11[%dma_start3A_92, %dma_start3A_93] : memref<10240x128xf32, #tpu.memory_space<vmem_shared>> -> memref<10240x128xf32, #tpu.memory_space<vmem_shared>>
        tpu.enqueue_indirect_dma source(%arg10 : memref<80x128xf32, #tpu.memory_space<vmem>>) target(%dma_start3A_94 : memref<10240x128xf32, #tpu.memory_space<vmem_shared>>) offsets(%dma_start3A_91 : memref<80xi32, #tpu.memory_space<vmem>>) semaphore(%run_scoped3A_88 : memref<!tpu.dma_semaphore, #tpu.memory_space<semaphore_mem>>) {add = true}
        %dma_wait3A_95 = arith.constant 0 : i32
        %dma_wait3A_96 = tpu.memref_slice %arg8[%add3A_87, %dma_wait3A_95] : memref<125x80xi32, #tpu.memory_space<vmem>> -> memref<1x80xi32, #tpu.memory_space<vmem>>
        %dma_wait3A_97 = tpu.memref_squeeze %dma_wait3A_96 : memref<1x80xi32, #tpu.memory_space<vmem>> -> memref<80xi32, #tpu.memory_space<vmem>>
        %dma_wait3A_98 = arith.constant 0 : i32
        %dma_wait3A_99 = arith.constant 0 : i32
        %dma_wait3A_100 = tpu.memref_slice %arg11[%dma_wait3A_98, %dma_wait3A_99] : memref<10240x128xf32, #tpu.memory_space<vmem_shared>> -> memref<10240x128xf32, #tpu.memory_space<vmem_shared>>
        tpu.wait_indirect_dma semaphore(%run_scoped3A_88 : memref<!tpu.dma_semaphore, #tpu.memory_space<semaphore_mem>>) src(%arg10 : memref<80x128xf32, #tpu.memory_space<vmem>>) dst(%dma_wait3A_100 : memref<10240x128xf32, #tpu.memory_space<vmem_shared>>)
        tpu.yield
      }) : () -> ()
    }
    %scan3A_29 = arith.constant 62 : i32
    %dma_wait3A = arith.constant 124 : i32
    %dma_wait3A_30 = arith.constant 0 : i32
    %dma_wait3A_31 = tpu.memref_slice %arg7[%dma_wait3A, %dma_wait3A_30] : memref<125x80xi32, #tpu.memory_space<vmem>> -> memref<1x80xi32, #tpu.memory_space<vmem>>
    %dma_wait3A_32 = tpu.memref_squeeze %dma_wait3A_31 : memref<1x80xi32, #tpu.memory_space<vmem>> -> memref<80xi32, #tpu.memory_space<vmem>>
    %dma_wait3A_33 = arith.constant 0 : i32
    %dma_wait3A_34 = arith.constant 0 : i32
    %dma_wait3A_35 = tpu.memref_slice %arg4[%dma_wait3A_33, %dma_wait3A_34] : memref<10000x128xf32, #tpu.memory_space<hbm>> -> memref<10000x128xf32, #tpu.memory_space<hbm>>
    tpu.wait_indirect_dma semaphore(%arg12 : memref<!tpu.dma_semaphore, #tpu.memory_space<semaphore_mem>>) src(%dma_wait3A_35 : memref<10000x128xf32, #tpu.memory_space<hbm>>) dst(%arg9 : memref<80x128xf32, #tpu.memory_space<vmem>>)
    %run_scoped3A = arith.constant 124 : i32
    "tpu.region"() ({
      %run_scoped3A_53 = tpu.sem_alloc : memref<!tpu.dma_semaphore, #tpu.memory_space<semaphore_mem>>
      %dma_start3A_54 = arith.constant 0 : i32
      %dma_start3A_55 = tpu.memref_slice %arg8[%run_scoped3A, %dma_start3A_54] : memref<125x80xi32, #tpu.memory_space<vmem>> -> memref<1x80xi32, #tpu.memory_space<vmem>>
      %dma_start3A_56 = tpu.memref_squeeze %dma_start3A_55 : memref<1x80xi32, #tpu.memory_space<vmem>> -> memref<80xi32, #tpu.memory_space<vmem>>
      %dma_start3A_57 = arith.constant 0 : i32
      %dma_start3A_58 = arith.constant 0 : i32
      %dma_start3A_59 = tpu.memref_slice %arg11[%dma_start3A_57, %dma_start3A_58] : memref<10240x128xf32, #tpu.memory_space<vmem_shared>> -> memref<10240x128xf32, #tpu.memory_space<vmem_shared>>
      tpu.enqueue_indirect_dma source(%arg9 : memref<80x128xf32, #tpu.memory_space<vmem>>) target(%dma_start3A_59 : memref<10240x128xf32, #tpu.memory_space<vmem_shared>>) offsets(%dma_start3A_56 : memref<80xi32, #tpu.memory_space<vmem>>) semaphore(%run_scoped3A_53 : memref<!tpu.dma_semaphore, #tpu.memory_space<semaphore_mem>>) {add = true}
      %dma_wait3A_60 = arith.constant 0 : i32
      %dma_wait3A_61 = tpu.memref_slice %arg8[%run_scoped3A, %dma_wait3A_60] : memref<125x80xi32, #tpu.memory_space<vmem>> -> memref<1x80xi32, #tpu.memory_space<vmem>>
      %dma_wait3A_62 = tpu.memref_squeeze %dma_wait3A_61 : memref<1x80xi32, #tpu.memory_space<vmem>> -> memref<80xi32, #tpu.memory_space<vmem>>
      %dma_wait3A_63 = arith.constant 0 : i32
      %dma_wait3A_64 = arith.constant 0 : i32
      %dma_wait3A_65 = tpu.memref_slice %arg11[%dma_wait3A_63, %dma_wait3A_64] : memref<10240x128xf32, #tpu.memory_space<vmem_shared>> -> memref<10240x128xf32, #tpu.memory_space<vmem_shared>>
      tpu.wait_indirect_dma semaphore(%run_scoped3A_53 : memref<!tpu.dma_semaphore, #tpu.memory_space<semaphore_mem>>) src(%arg9 : memref<80x128xf32, #tpu.memory_space<vmem>>) dst(%dma_wait3A_65 : memref<10240x128xf32, #tpu.memory_space<vmem_shared>>)
      tpu.yield
    }) : () -> ()
    %barrier3A_36 = arith.constant 0 : index
    tpu.barrier barrier_id(%barrier3A_36)
    %add3A_37 = arith.constant 0 : i32
    %add3A_38 = arith.addi %mul3A_2, %add3A_37 : i32
    "tpu.region"() ({
      %run_scoped3A_53 = tpu.sem_alloc : memref<!tpu.dma_semaphore, #tpu.memory_space<semaphore_mem>>
      %dma_start3A_54 = arith.constant 0 : i32
      %dma_start3A_55 = tpu.memref_slice %arg11[%add3A_38, %dma_start3A_54] : memref<10240x128xf32, #tpu.memory_space<vmem_shared>> -> memref<80x128xf32, #tpu.memory_space<vmem_shared>>
      %dma_start3A_56 = arith.constant 0 : i32
      %dma_start3A_57 = tpu.memref_slice %arg11[%add3A_38, %dma_start3A_56] : memref<10240x128xf32, #tpu.memory_space<vmem_shared>> -> memref<80x128xf32, #tpu.memory_space<vmem_shared>>
      tpu.enqueue_dma source(%dma_start3A_57 : memref<80x128xf32, #tpu.memory_space<vmem_shared>>) target(%arg9 : memref<80x128xf32, #tpu.memory_space<vmem>>) target_semaphore(%run_scoped3A_53 : memref<!tpu.dma_semaphore, #tpu.memory_space<semaphore_mem>>)
      %dma_wait3A_58 = arith.constant 0 : i32
      %dma_wait3A_59 = tpu.memref_slice %arg11[%add3A_38, %dma_wait3A_58] : memref<10240x128xf32, #tpu.memory_space<vmem_shared>> -> memref<80x128xf32, #tpu.memory_space<vmem_shared>>
      %dma_wait3A_60 = arith.constant 0 : i32
      %dma_wait3A_61 = tpu.memref_slice %arg11[%add3A_38, %dma_wait3A_60] : memref<10240x128xf32, #tpu.memory_space<vmem_shared>> -> memref<80x128xf32, #tpu.memory_space<vmem_shared>>
      tpu.wait_dma2 semaphore(%run_scoped3A_53 : memref<!tpu.dma_semaphore, #tpu.memory_space<semaphore_mem>>) src(%dma_wait3A_61 : memref<80x128xf32, #tpu.memory_space<vmem_shared>>) dst(%arg9 : memref<80x128xf32, #tpu.memory_space<vmem>>)
      tpu.yield
    }) : () -> ()
    "tpu.region"() ({
      %run_scoped3A_53 = tpu.sem_alloc : memref<!tpu.dma_semaphore, #tpu.memory_space<semaphore_mem>>
      %dma_start3A_54 = arith.constant 0 : i32
      %dma_start3A_55 = tpu.memref_slice %arg6[%arg0, %add3A_38, %dma_start3A_54] : memref<2x10240x128xf32, #tpu.memory_space<hbm>> -> memref<1x80x128xf32, #tpu.memory_space<hbm>>
      %dma_start3A_56 = tpu.memref_squeeze %dma_start3A_55 : memref<1x80x128xf32, #tpu.memory_space<hbm>> -> memref<80x128xf32, #tpu.memory_space<hbm>>
      %dma_start3A_57 = arith.constant 0 : i32
      %dma_start3A_58 = tpu.memref_slice %arg6[%arg0, %add3A_38, %dma_start3A_57] : memref<2x10240x128xf32, #tpu.memory_space<hbm>> -> memref<1x80x128xf32, #tpu.memory_space<hbm>>
      %dma_start3A_59 = tpu.memref_squeeze %dma_start3A_58 : memref<1x80x128xf32, #tpu.memory_space<hbm>> -> memref<80x128xf32, #tpu.memory_space<hbm>>
      tpu.enqueue_dma source(%arg9 : memref<80x128xf32, #tpu.memory_space<vmem>>) target(%dma_start3A_59 : memref<80x128xf32, #tpu.memory_space<hbm>>) target_semaphore(%run_scoped3A_53 : memref<!tpu.dma_semaphore, #tpu.memory_space<semaphore_mem>>)
      %dma_wait3A_60 = arith.constant 0 : i32
      %dma_wait3A_61 = tpu.memref_slice %arg6[%arg0, %add3A_38, %dma_wait3A_60] : memref<2x10240x128xf32, #tpu.memory_space<hbm>> -> memref<1x80x128xf32, #tpu.memory_space<hbm>>
      %dma_wait3A_62 = tpu.memref_squeeze %dma_wait3A_61 : memref<1x80x128xf32, #tpu.memory_space<hbm>> -> memref<80x128xf32, #tpu.memory_space<hbm>>
      %dma_wait3A_63 = arith.constant 0 : i32
      %dma_wait3A_64 = tpu.memref_slice %arg6[%arg0, %add3A_38, %dma_wait3A_63] : memref<2x10240x128xf32, #tpu.memory_space<hbm>> -> memref<1x80x128xf32, #tpu.memory_space<hbm>>
      %dma_wait3A_65 = tpu.memref_squeeze %dma_wait3A_64 : memref<1x80x128xf32, #tpu.memory_space<hbm>> -> memref<80x128xf32, #tpu.memory_space<hbm>>
      tpu.wait_dma2 semaphore(%run_scoped3A_53 : memref<!tpu.dma_semaphore, #tpu.memory_space<semaphore_mem>>) src(%arg9 : memref<80x128xf32, #tpu.memory_space<vmem>>) dst(%dma_wait3A_65 : memref<80x128xf32, #tpu.memory_space<hbm>>)
      tpu.yield
    }) : () -> ()
    %add3A_39 = arith.constant 80 : i32
    %add3A_40 = arith.addi %mul3A_2, %add3A_39 : i32
    "tpu.region"() ({
      %run_scoped3A_53 = tpu.sem_alloc : memref<!tpu.dma_semaphore, #tpu.memory_space<semaphore_mem>>
      %dma_start3A_54 = arith.constant 0 : i32
      %dma_start3A_55 = tpu.memref_slice %arg11[%add3A_40, %dma_start3A_54] : memref<10240x128xf32, #tpu.memory_space<vmem_shared>> -> memref<80x128xf32, #tpu.memory_space<vmem_shared>>
      %dma_start3A_56 = arith.constant 0 : i32
      %dma_start3A_57 = tpu.memref_slice %arg11[%add3A_40, %dma_start3A_56] : memref<10240x128xf32, #tpu.memory_space<vmem_shared>> -> memref<80x128xf32, #tpu.memory_space<vmem_shared>>
      tpu.enqueue_dma source(%dma_start3A_57 : memref<80x128xf32, #tpu.memory_space<vmem_shared>>) target(%arg9 : memref<80x128xf32, #tpu.memory_space<vmem>>) target_semaphore(%run_scoped3A_53 : memref<!tpu.dma_semaphore, #tpu.memory_space<semaphore_mem>>)
      %dma_wait3A_58 = arith.constant 0 : i32
      %dma_wait3A_59 = tpu.memref_slice %arg11[%add3A_40, %dma_wait3A_58] : memref<10240x128xf32, #tpu.memory_space<vmem_shared>> -> memref<80x128xf32, #tpu.memory_space<vmem_shared>>
      %dma_wait3A_60 = arith.constant 0 : i32
      %dma_wait3A_61 = tpu.memref_slice %arg11[%add3A_40, %dma_wait3A_60] : memref<10240x128xf32, #tpu.memory_space<vmem_shared>> -> memref<80x128xf32, #tpu.memory_space<vmem_shared>>
      tpu.wait_dma2 semaphore(%run_scoped3A_53 : memref<!tpu.dma_semaphore, #tpu.memory_space<semaphore_mem>>) src(%dma_wait3A_61 : memref<80x128xf32, #tpu.memory_space<vmem_shared>>) dst(%arg9 : memref<80x128xf32, #tpu.memory_space<vmem>>)
      tpu.yield
    }) : () -> ()
    "tpu.region"() ({
      %run_scoped3A_53 = tpu.sem_alloc : memref<!tpu.dma_semaphore, #tpu.memory_space<semaphore_mem>>
      %dma_start3A_54 = arith.constant 0 : i32
      %dma_start3A_55 = tpu.memref_slice %arg6[%arg0, %add3A_40, %dma_start3A_54] : memref<2x10240x128xf32, #tpu.memory_space<hbm>> -> memref<1x80x128xf32, #tpu.memory_space<hbm>>
      %dma_start3A_56 = tpu.memref_squeeze %dma_start3A_55 : memref<1x80x128xf32, #tpu.memory_space<hbm>> -> memref<80x128xf32, #tpu.memory_space<hbm>>
      %dma_start3A_57 = arith.constant 0 : i32
      %dma_start3A_58 = tpu.memref_slice %arg6[%arg0, %add3A_40, %dma_start3A_57] : memref<2x10240x128xf32, #tpu.memory_space<hbm>> -> memref<1x80x128xf32, #tpu.memory_space<hbm>>
      %dma_start3A_59 = tpu.memref_squeeze %dma_start3A_58 : memref<1x80x128xf32, #tpu.memory_space<hbm>> -> memref<80x128xf32, #tpu.memory_space<hbm>>
      tpu.enqueue_dma source(%arg9 : memref<80x128xf32, #tpu.memory_space<vmem>>) target(%dma_start3A_59 : memref<80x128xf32, #tpu.memory_space<hbm>>) target_semaphore(%run_scoped3A_53 : memref<!tpu.dma_semaphore, #tpu.memory_space<semaphore_mem>>)
      %dma_wait3A_60 = arith.constant 0 : i32
      %dma_wait3A_61 = tpu.memref_slice %arg6[%arg0, %add3A_40, %dma_wait3A_60] : memref<2x10240x128xf32, #tpu.memory_space<hbm>> -> memref<1x80x128xf32, #tpu.memory_space<hbm>>
      %dma_wait3A_62 = tpu.memref_squeeze %dma_wait3A_61 : memref<1x80x128xf32, #tpu.memory_space<hbm>> -> memref<80x128xf32, #tpu.memory_space<hbm>>
      %dma_wait3A_63 = arith.constant 0 : i32
      %dma_wait3A_64 = tpu.memref_slice %arg6[%arg0, %add3A_40, %dma_wait3A_63] : memref<2x10240x128xf32, #tpu.memory_space<hbm>> -> memref<1x80x128xf32, #tpu.memory_space<hbm>>
      %dma_wait3A_65 = tpu.memref_squeeze %dma_wait3A_64 : memref<1x80x128xf32, #tpu.memory_space<hbm>> -> memref<80x128xf32, #tpu.memory_space<hbm>>
      tpu.wait_dma2 semaphore(%run_scoped3A_53 : memref<!tpu.dma_semaphore, #tpu.memory_space<semaphore_mem>>) src(%arg9 : memref<80x128xf32, #tpu.memory_space<vmem>>) dst(%dma_wait3A_65 : memref<80x128xf32, #tpu.memory_space<hbm>>)
      tpu.yield
    }) : () -> ()
    %add3A_41 = arith.constant 160 : i32
    %add3A_42 = arith.addi %mul3A_2, %add3A_41 : i32
    "tpu.region"() ({
      %run_scoped3A_53 = tpu.sem_alloc : memref<!tpu.dma_semaphore, #tpu.memory_space<semaphore_mem>>
      %dma_start3A_54 = arith.constant 0 : i32
      %dma_start3A_55 = tpu.memref_slice %arg11[%add3A_42, %dma_start3A_54] : memref<10240x128xf32, #tpu.memory_space<vmem_shared>> -> memref<80x128xf32, #tpu.memory_space<vmem_shared>>
      %dma_start3A_56 = arith.constant 0 : i32
      %dma_start3A_57 = tpu.memref_slice %arg11[%add3A_42, %dma_start3A_56] : memref<10240x128xf32, #tpu.memory_space<vmem_shared>> -> memref<80x128xf32, #tpu.memory_space<vmem_shared>>
      tpu.enqueue_dma source(%dma_start3A_57 : memref<80x128xf32, #tpu.memory_space<vmem_shared>>) target(%arg9 : memref<80x128xf32, #tpu.memory_space<vmem>>) target_semaphore(%run_scoped3A_53 : memref<!tpu.dma_semaphore, #tpu.memory_space<semaphore_mem>>)
      %dma_wait3A_58 = arith.constant 0 : i32
      %dma_wait3A_59 = tpu.memref_slice %arg11[%add3A_42, %dma_wait3A_58] : memref<10240x128xf32, #tpu.memory_space<vmem_shared>> -> memref<80x128xf32, #tpu.memory_space<vmem_shared>>
      %dma_wait3A_60 = arith.constant 0 : i32
      %dma_wait3A_61 = tpu.memref_slice %arg11[%add3A_42, %dma_wait3A_60] : memref<10240x128xf32, #tpu.memory_space<vmem_shared>> -> memref<80x128xf32, #tpu.memory_space<vmem_shared>>
      tpu.wait_dma2 semaphore(%run_scoped3A_53 : memref<!tpu.dma_semaphore, #tpu.memory_space<semaphore_mem>>) src(%dma_wait3A_61 : memref<80x128xf32, #tpu.memory_space<vmem_shared>>) dst(%arg9 : memref<80x128xf32, #tpu.memory_space<vmem>>)
      tpu.yield
    }) : () -> ()
    "tpu.region"() ({
      %run_scoped3A_53 = tpu.sem_alloc : memref<!tpu.dma_semaphore, #tpu.memory_space<semaphore_mem>>
      %dma_start3A_54 = arith.constant 0 : i32
      %dma_start3A_55 = tpu.memref_slice %arg6[%arg0, %add3A_42, %dma_start3A_54] : memref<2x10240x128xf32, #tpu.memory_space<hbm>> -> memref<1x80x128xf32, #tpu.memory_space<hbm>>
      %dma_start3A_56 = tpu.memref_squeeze %dma_start3A_55 : memref<1x80x128xf32, #tpu.memory_space<hbm>> -> memref<80x128xf32, #tpu.memory_space<hbm>>
      %dma_start3A_57 = arith.constant 0 : i32
      %dma_start3A_58 = tpu.memref_slice %arg6[%arg0, %add3A_42, %dma_start3A_57] : memref<2x10240x128xf32, #tpu.memory_space<hbm>> -> memref<1x80x128xf32, #tpu.memory_space<hbm>>
      %dma_start3A_59 = tpu.memref_squeeze %dma_start3A_58 : memref<1x80x128xf32, #tpu.memory_space<hbm>> -> memref<80x128xf32, #tpu.memory_space<hbm>>
      tpu.enqueue_dma source(%arg9 : memref<80x128xf32, #tpu.memory_space<vmem>>) target(%dma_start3A_59 : memref<80x128xf32, #tpu.memory_space<hbm>>) target_semaphore(%run_scoped3A_53 : memref<!tpu.dma_semaphore, #tpu.memory_space<semaphore_mem>>)
      %dma_wait3A_60 = arith.constant 0 : i32
      %dma_wait3A_61 = tpu.memref_slice %arg6[%arg0, %add3A_42, %dma_wait3A_60] : memref<2x10240x128xf32, #tpu.memory_space<hbm>> -> memref<1x80x128xf32, #tpu.memory_space<hbm>>
      %dma_wait3A_62 = tpu.memref_squeeze %dma_wait3A_61 : memref<1x80x128xf32, #tpu.memory_space<hbm>> -> memref<80x128xf32, #tpu.memory_space<hbm>>
      %dma_wait3A_63 = arith.constant 0 : i32
      %dma_wait3A_64 = tpu.memref_slice %arg6[%arg0, %add3A_42, %dma_wait3A_63] : memref<2x10240x128xf32, #tpu.memory_space<hbm>> -> memref<1x80x128xf32, #tpu.memory_space<hbm>>
      %dma_wait3A_65 = tpu.memref_squeeze %dma_wait3A_64 : memref<1x80x128xf32, #tpu.memory_space<hbm>> -> memref<80x128xf32, #tpu.memory_space<hbm>>
      tpu.wait_dma2 semaphore(%run_scoped3A_53 : memref<!tpu.dma_semaphore, #tpu.memory_space<semaphore_mem>>) src(%arg9 : memref<80x128xf32, #tpu.memory_space<vmem>>) dst(%dma_wait3A_65 : memref<80x128xf32, #tpu.memory_space<hbm>>)
      tpu.yield
    }) : () -> ()
    %add3A_43 = arith.constant 240 : i32
    %add3A_44 = arith.addi %mul3A_2, %add3A_43 : i32
    "tpu.region"() ({
      %run_scoped3A_53 = tpu.sem_alloc : memref<!tpu.dma_semaphore, #tpu.memory_space<semaphore_mem>>
      %dma_start3A_54 = arith.constant 0 : i32
      %dma_start3A_55 = tpu.memref_slice %arg11[%add3A_44, %dma_start3A_54] : memref<10240x128xf32, #tpu.memory_space<vmem_shared>> -> memref<80x128xf32, #tpu.memory_space<vmem_shared>>
      %dma_start3A_56 = arith.constant 0 : i32
      %dma_start3A_57 = tpu.memref_slice %arg11[%add3A_44, %dma_start3A_56] : memref<10240x128xf32, #tpu.memory_space<vmem_shared>> -> memref<80x128xf32, #tpu.memory_space<vmem_shared>>
      tpu.enqueue_dma source(%dma_start3A_57 : memref<80x128xf32, #tpu.memory_space<vmem_shared>>) target(%arg9 : memref<80x128xf32, #tpu.memory_space<vmem>>) target_semaphore(%run_scoped3A_53 : memref<!tpu.dma_semaphore, #tpu.memory_space<semaphore_mem>>)
      %dma_wait3A_58 = arith.constant 0 : i32
      %dma_wait3A_59 = tpu.memref_slice %arg11[%add3A_44, %dma_wait3A_58] : memref<10240x128xf32, #tpu.memory_space<vmem_shared>> -> memref<80x128xf32, #tpu.memory_space<vmem_shared>>
      %dma_wait3A_60 = arith.constant 0 : i32
      %dma_wait3A_61 = tpu.memref_slice %arg11[%add3A_44, %dma_wait3A_60] : memref<10240x128xf32, #tpu.memory_space<vmem_shared>> -> memref<80x128xf32, #tpu.memory_space<vmem_shared>>
      tpu.wait_dma2 semaphore(%run_scoped3A_53 : memref<!tpu.dma_semaphore, #tpu.memory_space<semaphore_mem>>) src(%dma_wait3A_61 : memref<80x128xf32, #tpu.memory_space<vmem_shared>>) dst(%arg9 : memref<80x128xf32, #tpu.memory_space<vmem>>)
      tpu.yield
    }) : () -> ()
    "tpu.region"() ({
      %run_scoped3A_53 = tpu.sem_alloc : memref<!tpu.dma_semaphore, #tpu.memory_space<semaphore_mem>>
      %dma_start3A_54 = arith.constant 0 : i32
      %dma_start3A_55 = tpu.memref_slice %arg6[%arg0, %add3A_44, %dma_start3A_54] : memref<2x10240x128xf32, #tpu.memory_space<hbm>> -> memref<1x80x128xf32, #tpu.memory_space<hbm>>
      %dma_start3A_56 = tpu.memref_squeeze %dma_start3A_55 : memref<1x80x128xf32, #tpu.memory_space<hbm>> -> memref<80x128xf32, #tpu.memory_space<hbm>>
      %dma_start3A_57 = arith.constant 0 : i32
      %dma_start3A_58 = tpu.memref_slice %arg6[%arg0, %add3A_44, %dma_start3A_57] : memref<2x10240x128xf32, #tpu.memory_space<hbm>> -> memref<1x80x128xf32, #tpu.memory_space<hbm>>
      %dma_start3A_59 = tpu.memref_squeeze %dma_start3A_58 : memref<1x80x128xf32, #tpu.memory_space<hbm>> -> memref<80x128xf32, #tpu.memory_space<hbm>>
      tpu.enqueue_dma source(%arg9 : memref<80x128xf32, #tpu.memory_space<vmem>>) target(%dma_start3A_59 : memref<80x128xf32, #tpu.memory_space<hbm>>) target_semaphore(%run_scoped3A_53 : memref<!tpu.dma_semaphore, #tpu.memory_space<semaphore_mem>>)
      %dma_wait3A_60 = arith.constant 0 : i32
      %dma_wait3A_61 = tpu.memref_slice %arg6[%arg0, %add3A_44, %dma_wait3A_60] : memref<2x10240x128xf32, #tpu.memory_space<hbm>> -> memref<1x80x128xf32, #tpu.memory_space<hbm>>
      %dma_wait3A_62 = tpu.memref_squeeze %dma_wait3A_61 : memref<1x80x128xf32, #tpu.memory_space<hbm>> -> memref<80x128xf32, #tpu.memory_space<hbm>>
      %dma_wait3A_63 = arith.constant 0 : i32
      %dma_wait3A_64 = tpu.memref_slice %arg6[%arg0, %add3A_44, %dma_wait3A_63] : memref<2x10240x128xf32, #tpu.memory_space<hbm>> -> memref<1x80x128xf32, #tpu.memory_space<hbm>>
      %dma_wait3A_65 = tpu.memref_squeeze %dma_wait3A_64 : memref<1x80x128xf32, #tpu.memory_space<hbm>> -> memref<80x128xf32, #tpu.memory_space<hbm>>
      tpu.wait_dma2 semaphore(%run_scoped3A_53 : memref<!tpu.dma_semaphore, #tpu.memory_space<semaphore_mem>>) src(%arg9 : memref<80x128xf32, #tpu.memory_space<vmem>>) dst(%dma_wait3A_65 : memref<80x128xf32, #tpu.memory_space<hbm>>)
      tpu.yield
    }) : () -> ()
    %add3A_45 = arith.constant 320 : i32
    %add3A_46 = arith.addi %mul3A_2, %add3A_45 : i32
    "tpu.region"() ({
      %run_scoped3A_53 = tpu.sem_alloc : memref<!tpu.dma_semaphore, #tpu.memory_space<semaphore_mem>>
      %dma_start3A_54 = arith.constant 0 : i32
      %dma_start3A_55 = tpu.memref_slice %arg11[%add3A_46, %dma_start3A_54] : memref<10240x128xf32, #tpu.memory_space<vmem_shared>> -> memref<80x128xf32, #tpu.memory_space<vmem_shared>>
      %dma_start3A_56 = arith.constant 0 : i32
      %dma_start3A_57 = tpu.memref_slice %arg11[%add3A_46, %dma_start3A_56] : memref<10240x128xf32, #tpu.memory_space<vmem_shared>> -> memref<80x128xf32, #tpu.memory_space<vmem_shared>>
      tpu.enqueue_dma source(%dma_start3A_57 : memref<80x128xf32, #tpu.memory_space<vmem_shared>>) target(%arg9 : memref<80x128xf32, #tpu.memory_space<vmem>>) target_semaphore(%run_scoped3A_53 : memref<!tpu.dma_semaphore, #tpu.memory_space<semaphore_mem>>)
      %dma_wait3A_58 = arith.constant 0 : i32
      %dma_wait3A_59 = tpu.memref_slice %arg11[%add3A_46, %dma_wait3A_58] : memref<10240x128xf32, #tpu.memory_space<vmem_shared>> -> memref<80x128xf32, #tpu.memory_space<vmem_shared>>
      %dma_wait3A_60 = arith.constant 0 : i32
      %dma_wait3A_61 = tpu.memref_slice %arg11[%add3A_46, %dma_wait3A_60] : memref<10240x128xf32, #tpu.memory_space<vmem_shared>> -> memref<80x128xf32, #tpu.memory_space<vmem_shared>>
      tpu.wait_dma2 semaphore(%run_scoped3A_53 : memref<!tpu.dma_semaphore, #tpu.memory_space<semaphore_mem>>) src(%dma_wait3A_61 : memref<80x128xf32, #tpu.memory_space<vmem_shared>>) dst(%arg9 : memref<80x128xf32, #tpu.memory_space<vmem>>)
      tpu.yield
    }) : () -> ()
    "tpu.region"() ({
      %run_scoped3A_53 = tpu.sem_alloc : memref<!tpu.dma_semaphore, #tpu.memory_space<semaphore_mem>>
      %dma_start3A_54 = arith.constant 0 : i32
      %dma_start3A_55 = tpu.memref_slice %arg6[%arg0, %add3A_46, %dma_start3A_54] : memref<2x10240x128xf32, #tpu.memory_space<hbm>> -> memref<1x80x128xf32, #tpu.memory_space<hbm>>
      %dma_start3A_56 = tpu.memref_squeeze %dma_start3A_55 : memref<1x80x128xf32, #tpu.memory_space<hbm>> -> memref<80x128xf32, #tpu.memory_space<hbm>>
      %dma_start3A_57 = arith.constant 0 : i32
      %dma_start3A_58 = tpu.memref_slice %arg6[%arg0, %add3A_46, %dma_start3A_57] : memref<2x10240x128xf32, #tpu.memory_space<hbm>> -> memref<1x80x128xf32, #tpu.memory_space<hbm>>
      %dma_start3A_59 = tpu.memref_squeeze %dma_start3A_58 : memref<1x80x128xf32, #tpu.memory_space<hbm>> -> memref<80x128xf32, #tpu.memory_space<hbm>>
      tpu.enqueue_dma source(%arg9 : memref<80x128xf32, #tpu.memory_space<vmem>>) target(%dma_start3A_59 : memref<80x128xf32, #tpu.memory_space<hbm>>) target_semaphore(%run_scoped3A_53 : memref<!tpu.dma_semaphore, #tpu.memory_space<semaphore_mem>>)
      %dma_wait3A_60 = arith.constant 0 : i32
      %dma_wait3A_61 = tpu.memref_slice %arg6[%arg0, %add3A_46, %dma_wait3A_60] : memref<2x10240x128xf32, #tpu.memory_space<hbm>> -> memref<1x80x128xf32, #tpu.memory_space<hbm>>
      %dma_wait3A_62 = tpu.memref_squeeze %dma_wait3A_61 : memref<1x80x128xf32, #tpu.memory_space<hbm>> -> memref<80x128xf32, #tpu.memory_space<hbm>>
      %dma_wait3A_63 = arith.constant 0 : i32
      %dma_wait3A_64 = tpu.memref_slice %arg6[%arg0, %add3A_46, %dma_wait3A_63] : memref<2x10240x128xf32, #tpu.memory_space<hbm>> -> memref<1x80x128xf32, #tpu.memory_space<hbm>>
      %dma_wait3A_65 = tpu.memref_squeeze %dma_wait3A_64 : memref<1x80x128xf32, #tpu.memory_space<hbm>> -> memref<80x128xf32, #tpu.memory_space<hbm>>
      tpu.wait_dma2 semaphore(%run_scoped3A_53 : memref<!tpu.dma_semaphore, #tpu.memory_space<semaphore_mem>>) src(%arg9 : memref<80x128xf32, #tpu.memory_space<vmem>>) dst(%dma_wait3A_65 : memref<80x128xf32, #tpu.memory_space<hbm>>)
      tpu.yield
    }) : () -> ()
    %add3A_47 = arith.constant 400 : i32
    %add3A_48 = arith.addi %mul3A_2, %add3A_47 : i32
    "tpu.region"() ({
      %run_scoped3A_53 = tpu.sem_alloc : memref<!tpu.dma_semaphore, #tpu.memory_space<semaphore_mem>>
      %dma_start3A_54 = arith.constant 0 : i32
      %dma_start3A_55 = tpu.memref_slice %arg11[%add3A_48, %dma_start3A_54] : memref<10240x128xf32, #tpu.memory_space<vmem_shared>> -> memref<80x128xf32, #tpu.memory_space<vmem_shared>>
      %dma_start3A_56 = arith.constant 0 : i32
      %dma_start3A_57 = tpu.memref_slice %arg11[%add3A_48, %dma_start3A_56] : memref<10240x128xf32, #tpu.memory_space<vmem_shared>> -> memref<80x128xf32, #tpu.memory_space<vmem_shared>>
      tpu.enqueue_dma source(%dma_start3A_57 : memref<80x128xf32, #tpu.memory_space<vmem_shared>>) target(%arg9 : memref<80x128xf32, #tpu.memory_space<vmem>>) target_semaphore(%run_scoped3A_53 : memref<!tpu.dma_semaphore, #tpu.memory_space<semaphore_mem>>)
      %dma_wait3A_58 = arith.constant 0 : i32
      %dma_wait3A_59 = tpu.memref_slice %arg11[%add3A_48, %dma_wait3A_58] : memref<10240x128xf32, #tpu.memory_space<vmem_shared>> -> memref<80x128xf32, #tpu.memory_space<vmem_shared>>
      %dma_wait3A_60 = arith.constant 0 : i32
      %dma_wait3A_61 = tpu.memref_slice %arg11[%add3A_48, %dma_wait3A_60] : memref<10240x128xf32, #tpu.memory_space<vmem_shared>> -> memref<80x128xf32, #tpu.memory_space<vmem_shared>>
      tpu.wait_dma2 semaphore(%run_scoped3A_53 : memref<!tpu.dma_semaphore, #tpu.memory_space<semaphore_mem>>) src(%dma_wait3A_61 : memref<80x128xf32, #tpu.memory_space<vmem_shared>>) dst(%arg9 : memref<80x128xf32, #tpu.memory_space<vmem>>)
      tpu.yield
    }) : () -> ()
    "tpu.region"() ({
      %run_scoped3A_53 = tpu.sem_alloc : memref<!tpu.dma_semaphore, #tpu.memory_space<semaphore_mem>>
      %dma_start3A_54 = arith.constant 0 : i32
      %dma_start3A_55 = tpu.memref_slice %arg6[%arg0, %add3A_48, %dma_start3A_54] : memref<2x10240x128xf32, #tpu.memory_space<hbm>> -> memref<1x80x128xf32, #tpu.memory_space<hbm>>
      %dma_start3A_56 = tpu.memref_squeeze %dma_start3A_55 : memref<1x80x128xf32, #tpu.memory_space<hbm>> -> memref<80x128xf32, #tpu.memory_space<hbm>>
      %dma_start3A_57 = arith.constant 0 : i32
      %dma_start3A_58 = tpu.memref_slice %arg6[%arg0, %add3A_48, %dma_start3A_57] : memref<2x10240x128xf32, #tpu.memory_space<hbm>> -> memref<1x80x128xf32, #tpu.memory_space<hbm>>
      %dma_start3A_59 = tpu.memref_squeeze %dma_start3A_58 : memref<1x80x128xf32, #tpu.memory_space<hbm>> -> memref<80x128xf32, #tpu.memory_space<hbm>>
      tpu.enqueue_dma source(%arg9 : memref<80x128xf32, #tpu.memory_space<vmem>>) target(%dma_start3A_59 : memref<80x128xf32, #tpu.memory_space<hbm>>) target_semaphore(%run_scoped3A_53 : memref<!tpu.dma_semaphore, #tpu.memory_space<semaphore_mem>>)
      %dma_wait3A_60 = arith.constant 0 : i32
      %dma_wait3A_61 = tpu.memref_slice %arg6[%arg0, %add3A_48, %dma_wait3A_60] : memref<2x10240x128xf32, #tpu.memory_space<hbm>> -> memref<1x80x128xf32, #tpu.memory_space<hbm>>
      %dma_wait3A_62 = tpu.memref_squeeze %dma_wait3A_61 : memref<1x80x128xf32, #tpu.memory_space<hbm>> -> memref<80x128xf32, #tpu.memory_space<hbm>>
      %dma_wait3A_63 = arith.constant 0 : i32
      %dma_wait3A_64 = tpu.memref_slice %arg6[%arg0, %add3A_48, %dma_wait3A_63] : memref<2x10240x128xf32, #tpu.memory_space<hbm>> -> memref<1x80x128xf32, #tpu.memory_space<hbm>>
      %dma_wait3A_65 = tpu.memref_squeeze %dma_wait3A_64 : memref<1x80x128xf32, #tpu.memory_space<hbm>> -> memref<80x128xf32, #tpu.memory_space<hbm>>
      tpu.wait_dma2 semaphore(%run_scoped3A_53 : memref<!tpu.dma_semaphore, #tpu.memory_space<semaphore_mem>>) src(%arg9 : memref<80x128xf32, #tpu.memory_space<vmem>>) dst(%dma_wait3A_65 : memref<80x128xf32, #tpu.memory_space<hbm>>)
      tpu.yield
    }) : () -> ()
    %add3A_49 = arith.constant 480 : i32
    %add3A_50 = arith.addi %mul3A_2, %add3A_49 : i32
    "tpu.region"() ({
      %run_scoped3A_53 = tpu.sem_alloc : memref<!tpu.dma_semaphore, #tpu.memory_space<semaphore_mem>>
      %dma_start3A_54 = arith.constant 0 : i32
      %dma_start3A_55 = tpu.memref_slice %arg11[%add3A_50, %dma_start3A_54] : memref<10240x128xf32, #tpu.memory_space<vmem_shared>> -> memref<80x128xf32, #tpu.memory_space<vmem_shared>>
      %dma_start3A_56 = arith.constant 0 : i32
      %dma_start3A_57 = tpu.memref_slice %arg11[%add3A_50, %dma_start3A_56] : memref<10240x128xf32, #tpu.memory_space<vmem_shared>> -> memref<80x128xf32, #tpu.memory_space<vmem_shared>>
      tpu.enqueue_dma source(%dma_start3A_57 : memref<80x128xf32, #tpu.memory_space<vmem_shared>>) target(%arg9 : memref<80x128xf32, #tpu.memory_space<vmem>>) target_semaphore(%run_scoped3A_53 : memref<!tpu.dma_semaphore, #tpu.memory_space<semaphore_mem>>)
      %dma_wait3A_58 = arith.constant 0 : i32
      %dma_wait3A_59 = tpu.memref_slice %arg11[%add3A_50, %dma_wait3A_58] : memref<10240x128xf32, #tpu.memory_space<vmem_shared>> -> memref<80x128xf32, #tpu.memory_space<vmem_shared>>
      %dma_wait3A_60 = arith.constant 0 : i32
      %dma_wait3A_61 = tpu.memref_slice %arg11[%add3A_50, %dma_wait3A_60] : memref<10240x128xf32, #tpu.memory_space<vmem_shared>> -> memref<80x128xf32, #tpu.memory_space<vmem_shared>>
      tpu.wait_dma2 semaphore(%run_scoped3A_53 : memref<!tpu.dma_semaphore, #tpu.memory_space<semaphore_mem>>) src(%dma_wait3A_61 : memref<80x128xf32, #tpu.memory_space<vmem_shared>>) dst(%arg9 : memref<80x128xf32, #tpu.memory_space<vmem>>)
      tpu.yield
    }) : () -> ()
    "tpu.region"() ({
      %run_scoped3A_53 = tpu.sem_alloc : memref<!tpu.dma_semaphore, #tpu.memory_space<semaphore_mem>>
      %dma_start3A_54 = arith.constant 0 : i32
      %dma_start3A_55 = tpu.memref_slice %arg6[%arg0, %add3A_50, %dma_start3A_54] : memref<2x10240x128xf32, #tpu.memory_space<hbm>> -> memref<1x80x128xf32, #tpu.memory_space<hbm>>
      %dma_start3A_56 = tpu.memref_squeeze %dma_start3A_55 : memref<1x80x128xf32, #tpu.memory_space<hbm>> -> memref<80x128xf32, #tpu.memory_space<hbm>>
      %dma_start3A_57 = arith.constant 0 : i32
      %dma_start3A_58 = tpu.memref_slice %arg6[%arg0, %add3A_50, %dma_start3A_57] : memref<2x10240x128xf32, #tpu.memory_space<hbm>> -> memref<1x80x128xf32, #tpu.memory_space<hbm>>
      %dma_start3A_59 = tpu.memref_squeeze %dma_start3A_58 : memref<1x80x128xf32, #tpu.memory_space<hbm>> -> memref<80x128xf32, #tpu.memory_space<hbm>>
      tpu.enqueue_dma source(%arg9 : memref<80x128xf32, #tpu.memory_space<vmem>>) target(%dma_start3A_59 : memref<80x128xf32, #tpu.memory_space<hbm>>) target_semaphore(%run_scoped3A_53 : memref<!tpu.dma_semaphore, #tpu.memory_space<semaphore_mem>>)
      %dma_wait3A_60 = arith.constant 0 : i32
      %dma_wait3A_61 = tpu.memref_slice %arg6[%arg0, %add3A_50, %dma_wait3A_60] : memref<2x10240x128xf32, #tpu.memory_space<hbm>> -> memref<1x80x128xf32, #tpu.memory_space<hbm>>
      %dma_wait3A_62 = tpu.memref_squeeze %dma_wait3A_61 : memref<1x80x128xf32, #tpu.memory_space<hbm>> -> memref<80x128xf32, #tpu.memory_space<hbm>>
      %dma_wait3A_63 = arith.constant 0 : i32
      %dma_wait3A_64 = tpu.memref_slice %arg6[%arg0, %add3A_50, %dma_wait3A_63] : memref<2x10240x128xf32, #tpu.memory_space<hbm>> -> memref<1x80x128xf32, #tpu.memory_space<hbm>>
      %dma_wait3A_65 = tpu.memref_squeeze %dma_wait3A_64 : memref<1x80x128xf32, #tpu.memory_space<hbm>> -> memref<80x128xf32, #tpu.memory_space<hbm>>
      tpu.wait_dma2 semaphore(%run_scoped3A_53 : memref<!tpu.dma_semaphore, #tpu.memory_space<semaphore_mem>>) src(%arg9 : memref<80x128xf32, #tpu.memory_space<vmem>>) dst(%dma_wait3A_65 : memref<80x128xf32, #tpu.memory_space<hbm>>)
      tpu.yield
    }) : () -> ()
    %add3A_51 = arith.constant 560 : i32
    %add3A_52 = arith.addi %mul3A_2, %add3A_51 : i32
    "tpu.region"() ({
      %run_scoped3A_53 = tpu.sem_alloc : memref<!tpu.dma_semaphore, #tpu.memory_space<semaphore_mem>>
      %dma_start3A_54 = arith.constant 0 : i32
      %dma_start3A_55 = tpu.memref_slice %arg11[%add3A_52, %dma_start3A_54] : memref<10240x128xf32, #tpu.memory_space<vmem_shared>> -> memref<80x128xf32, #tpu.memory_space<vmem_shared>>
      %dma_start3A_56 = arith.constant 0 : i32
      %dma_start3A_57 = tpu.memref_slice %arg11[%add3A_52, %dma_start3A_56] : memref<10240x128xf32, #tpu.memory_space<vmem_shared>> -> memref<80x128xf32, #tpu.memory_space<vmem_shared>>
      tpu.enqueue_dma source(%dma_start3A_57 : memref<80x128xf32, #tpu.memory_space<vmem_shared>>) target(%arg9 : memref<80x128xf32, #tpu.memory_space<vmem>>) target_semaphore(%run_scoped3A_53 : memref<!tpu.dma_semaphore, #tpu.memory_space<semaphore_mem>>)
      %dma_wait3A_58 = arith.constant 0 : i32
      %dma_wait3A_59 = tpu.memref_slice %arg11[%add3A_52, %dma_wait3A_58] : memref<10240x128xf32, #tpu.memory_space<vmem_shared>> -> memref<80x128xf32, #tpu.memory_space<vmem_shared>>
      %dma_wait3A_60 = arith.constant 0 : i32
      %dma_wait3A_61 = tpu.memref_slice %arg11[%add3A_52, %dma_wait3A_60] : memref<10240x128xf32, #tpu.memory_space<vmem_shared>> -> memref<80x128xf32, #tpu.memory_space<vmem_shared>>
      tpu.wait_dma2 semaphore(%run_scoped3A_53 : memref<!tpu.dma_semaphore, #tpu.memory_space<semaphore_mem>>) src(%dma_wait3A_61 : memref<80x128xf32, #tpu.memory_space<vmem_shared>>) dst(%arg9 : memref<80x128xf32, #tpu.memory_space<vmem>>)
      tpu.yield
    }) : () -> ()
    "tpu.region"() ({
      %run_scoped3A_53 = tpu.sem_alloc : memref<!tpu.dma_semaphore, #tpu.memory_space<semaphore_mem>>
      %dma_start3A_54 = arith.constant 0 : i32
      %dma_start3A_55 = tpu.memref_slice %arg6[%arg0, %add3A_52, %dma_start3A_54] : memref<2x10240x128xf32, #tpu.memory_space<hbm>> -> memref<1x80x128xf32, #tpu.memory_space<hbm>>
      %dma_start3A_56 = tpu.memref_squeeze %dma_start3A_55 : memref<1x80x128xf32, #tpu.memory_space<hbm>> -> memref<80x128xf32, #tpu.memory_space<hbm>>
      %dma_start3A_57 = arith.constant 0 : i32
      %dma_start3A_58 = tpu.memref_slice %arg6[%arg0, %add3A_52, %dma_start3A_57] : memref<2x10240x128xf32, #tpu.memory_space<hbm>> -> memref<1x80x128xf32, #tpu.memory_space<hbm>>
      %dma_start3A_59 = tpu.memref_squeeze %dma_start3A_58 : memref<1x80x128xf32, #tpu.memory_space<hbm>> -> memref<80x128xf32, #tpu.memory_space<hbm>>
      tpu.enqueue_dma source(%arg9 : memref<80x128xf32, #tpu.memory_space<vmem>>) target(%dma_start3A_59 : memref<80x128xf32, #tpu.memory_space<hbm>>) target_semaphore(%run_scoped3A_53 : memref<!tpu.dma_semaphore, #tpu.memory_space<semaphore_mem>>)
      %dma_wait3A_60 = arith.constant 0 : i32
      %dma_wait3A_61 = tpu.memref_slice %arg6[%arg0, %add3A_52, %dma_wait3A_60] : memref<2x10240x128xf32, #tpu.memory_space<hbm>> -> memref<1x80x128xf32, #tpu.memory_space<hbm>>
      %dma_wait3A_62 = tpu.memref_squeeze %dma_wait3A_61 : memref<1x80x128xf32, #tpu.memory_space<hbm>> -> memref<80x128xf32, #tpu.memory_space<hbm>>
      %dma_wait3A_63 = arith.constant 0 : i32
      %dma_wait3A_64 = tpu.memref_slice %arg6[%arg0, %add3A_52, %dma_wait3A_63] : memref<2x10240x128xf32, #tpu.memory_space<hbm>> -> memref<1x80x128xf32, #tpu.memory_space<hbm>>
      %dma_wait3A_65 = tpu.memref_squeeze %dma_wait3A_64 : memref<1x80x128xf32, #tpu.memory_space<hbm>> -> memref<80x128xf32, #tpu.memory_space<hbm>>
      tpu.wait_dma2 semaphore(%run_scoped3A_53 : memref<!tpu.dma_semaphore, #tpu.memory_space<semaphore_mem>>) src(%arg9 : memref<80x128xf32, #tpu.memory_space<vmem>>) dst(%dma_wait3A_65 : memref<80x128xf32, #tpu.memory_space<hbm>>)
      tpu.yield
    }) : () -> ()
    return
  }
}

module attributes {stable_mosaic.version = 14 : i64} {
  func.func @_combine_matmul_body(%arg0: i32, %arg1: memref<2x1000x128xf32, #tpu.memory_space<vmem>>, %arg2: memref<128x128xf32, #tpu.memory_space<vmem>>, %arg3: memref<1x128xf32, #tpu.memory_space<vmem>>, %arg4: memref<1000x128xf32, #tpu.memory_space<vmem>>) attributes {dimension_semantics = [#tpu.dimension_semantics<arbitrary>], iteration_bounds = array<i64: 10>, scalar_prefetch = 0 : i64, scratch_operands = 0 : i64, tpu.core_type = #tpu.core_type<tc>, window_params = [{transform_indices = @transform_0, window_bounds = array<i64: 2, 1000, 128>}, {pipeline_mode = #tpu.pipeline_mode<synchronous>, transform_indices = @transform_1, window_bounds = array<i64: 128, 128>}, {pipeline_mode = #tpu.pipeline_mode<synchronous>, transform_indices = @transform_2, window_bounds = array<i64: 1, 128>}, {transform_indices = @transform_3, window_bounds = array<i64: 1000, 128>}]} {
    %get3A = arith.constant 0 : index
    %get3A_0 = arith.constant 0 : index
    %get3A_1 = arith.constant 0 : index
    %get3A_2 = vector.load %arg1[%get3A, %get3A_0, %get3A_1] : memref<2x1000x128xf32, #tpu.memory_space<vmem>>, vector<1x1000x128xf32>
    %get3A_3 = vector.shape_cast %get3A_2 : vector<1x1000x128xf32> to vector<1000x128xf32>
    %get3A_4 = arith.constant 1 : index
    %get3A_5 = arith.constant 0 : index
    %get3A_6 = arith.constant 0 : index
    %get3A_7 = vector.load %arg1[%get3A_4, %get3A_5, %get3A_6] : memref<2x1000x128xf32, #tpu.memory_space<vmem>>, vector<1x1000x128xf32>
    %get3A_8 = vector.shape_cast %get3A_7 : vector<1x1000x128xf32> to vector<1000x128xf32>
    %add3A = arith.addf %get3A_3, %get3A_8 : vector<1000x128xf32>
    %get3A_9 = arith.constant 0 : index
    %get3A_10 = arith.constant 0 : index
    %get3A_11 = vector.load %arg2[%get3A_9, %get3A_10] : memref<128x128xf32, #tpu.memory_space<vmem>>, vector<128x128xf32>
    %dot_general3A = arith.constant dense<0.000000e+00> : vector<1000x128xf32>
    %dot_general3A_12 = tpu.matmul %add3A, %get3A_11, %dot_general3A {dimension_numbers = #tpu.dot_dimension_numbers<[1], [0], [0], [1], [0, 0, 1, 1], [], []>, transpose_lhs_hint = false} : vector<1000x128xf32>, vector<128x128xf32>, vector<1000x128xf32> -> vector<1000x128xf32>
    %get3A_13 = arith.constant 0 : index
    %get3A_14 = arith.constant 0 : index
    %get3A_15 = vector.load %arg3[%get3A_13, %get3A_14] : memref<1x128xf32, #tpu.memory_space<vmem>>, vector<1x128xf32>
    %add3A_16 = vector.broadcast %get3A_15 : vector<1x128xf32> to vector<1000x128xf32>
    %add3A_17 = arith.addf %dot_general3A_12, %add3A_16 : vector<1000x128xf32>
    %swap3A = arith.constant 0 : index
    %swap3A_18 = arith.constant 0 : index
    %swap3A_19 = vector.load %arg4[%swap3A, %swap3A_18] : memref<1000x128xf32, #tpu.memory_space<vmem>>, vector<1000x128xf32>
    tpu.vector_store %arg4[%swap3A, %swap3A_18], %add3A_17 {strides = array<i32>} : memref<1000x128xf32, #tpu.memory_space<vmem>>, vector<1000x128xf32>,
    return
  }
  func.func @transform_0(%arg0: i32) -> (i32, i32, i32) {
    %c0_i32 = arith.constant 0 : i32
    %c0_i32_0 = arith.constant 0 : i32
    %c0_i32_1 = arith.constant 0 : i32
    return %c0_i32, %arg0, %c0_i32_0 : i32, i32, i32
  }
  func.func @transform_1(%arg0: i32) -> (i32, i32) {
    %c0_i32 = arith.constant 0 : i32
    %c0_i32_0 = arith.constant 0 : i32
    %c0_i32_1 = arith.constant 0 : i32
    return %c0_i32, %c0_i32_0 : i32, i32
  }
  func.func @transform_2(%arg0: i32) -> (i32, i32) {
    %c0_i32 = arith.constant 0 : i32
    %c0_i32_0 = arith.constant 0 : i32
    %c0_i32_1 = arith.constant 0 : i32
    return %c0_i32, %c0_i32_0 : i32, i32
  }
  func.func @transform_3(%arg0: i32) -> (i32, i32) {
    %c0_i32 = arith.constant 0 : i32
    %c0_i32_0 = arith.constant 0 : i32
    return %arg0, %c0_i32 : i32, i32
  }
}

</mosaic_0001>

<sc_bundles>
// kernel: kernel.4.cloned.1.call-start
scs
__scs_entry_jumppad:
0x0: {  	(pc) =	sbr.rel $0x88, $3  }
0x1: {  	(tag) =	ssettag $0x0;
	lr =	simm.s32 $0x1  }
0x2: {  	[smem:$0x3F9D] =	sst lr;
	_ =	strace $0xD0000000  }
0x3: {  	_ = 	snop  }
0x4: {  	_ = 	snop  }
0x5: {  	_ = 	snop  }
0x6: {  	_ = 	snop  }
0x7: {  	_ = 	snop  }
__scs_overlays_trampoline_lowered:
0x8: {  	[smem:$0x3FAC] =	sst s0  }
0x9: {  	[smem:$0x3FAD] =	sst s1  }
0xa: {  	[smem:$0x3FAE] =	sst s2  }
0xb: {  	[smem:$0x3FAF] =	sst s3  }
0xc: {  	[smem:$0x3FB0] =	sst s4  }
0xd: {  	[smem:$0x3FB1] =	sst s5  }
0xe: {  	[smem:$0x3FB2] =	sst s6  }
0xf: {  	[smem:$0x3FB3] =	sst s7  }
0x10: {  	[smem:$0x3FB4] =	sst s8  }
0x11: {  	[smem:$0x3FB5] =	sst s9;
	s0 =	simm.s32 @!p0 $0x0  }
0x12: {  	s1 =	sld [smem:$0x3F9B];
	s0 =	simm.s32 @p0 $0x1  }
0x13: {  	[smem:$0x3FB6] =	sst s0;
	s0 =	simm.s32 @!p1 $0x0  }
0x14: {  	s2 =	sld [smem:$0x3F9A];
	s0 =	simm.s32 @p1 $0x1  }
0x15: {  	[smem:$0x3FB7] =	sst s0;
	s0 =	simm.s32 @!p2 $0x0  }
0x16: {  	s3 =	sld [smem:$0x3FDB];
	s0 =	simm.s32 @p2 $0x1  }
0x17: {  	s4 =	simm.s32 $0x1BF5;
	[smem:$0x3FB9] =	sst s0  }
0x18: {  	s0 =	sld [smem:$0x3F9C];
	_ =	swait.ge [sflag:s4], $0x0  }
0x19: {  	s7 =	sld [smem:$0x3F9D]  }
0x1a: {  	s8 =	sadd.s32 $0xFFFFE003, lr  }
0x1b: {  	s9 =	sadd.s32 $0xFFFFFEF7, lr;
	s5 =	simm.s32 $0xFFFFFFFF;
	p2 =	slt.u32 s8, $0xFFFFF086  }
0x1c: {  	p1 =	slt.u32 s9, $0xF7A;
	s5 =	simm.s32 @!p2 $0x0  }
0x1d: {  	s5 =	simm.s32 @p1 $0x1;
	p0 =	seq.s32 s7, s2  }
0x1e: {  	s7 =	smul.u32 @!p0 $0xF7A, s2;
	p2 =	seq.s32 @!p0 s5, $0x0  }
0x1f: {  	s9 =	smul.u32 $0xF7A, s1;
	s8 =	simm.s32 @!p0 $0x1BF5;
	p2 =	por !p2, p0  }
0x20: {  	[sflag:s8] =	ssyncset.s32 @!p0 $0xFFFFF086;
	s6 =	sadd.s32 @!p0 s3, s7;
	s7 =	simm.s32 @!p0 $0x108  }
0x21: {  	s3 =	sadd.s32 s3, s9;
	s6 =	sadd.s32 @!p0 $0x88, s6;
	s7 =	simm.s32 @p2 $0x1082  }
0x22: {  	[simem:s7], [sflag:s8] =	dma.local @!p0 [hbm:s6], $0xF7A  }
0x23: {  	s9 =	sor.u32 $0xD0000000, s2;
	s6 =	simm.s32 $0x108;
	_ =	swait.ge @!p0 [sflag:s8], $0x0  }
0x24: {  	s3 =	sadd.s32 $0x88, s3;
	s6 =	simm.s32 @!p1 $0x1082;
	[sflag:s4] =	ssyncset.s32 $0xFFFFF086  }
0x25: {  	[simem:s6], [sflag:s4] =	dma.local [hbm:s3], $0xF7A  }
0x26: {  	[smem:$0x3F9D] =	sst s1;
	(tag) =	ssettag s2;
	_ =	strace s9  }
0x27: {  	s1 =	sld [smem:$0x3FAD]  }
0x28: {  	s2 =	sld [smem:$0x3FAE]  }
0x29: {  	s4 =	sld [smem:$0x3FB0]  }
0x2a: {  	p0 =	seq.s32 s5, $0x0;
	s5 =	sld [smem:$0x3FB1]  }
0x2b: {  	s6 =	sld [smem:$0x3FB2]  }
0x2c: {  	s7 =	sld [smem:$0x3FB3]  }
0x2d: {  	s3 =	simm.s32 $0x108;
	s8 =	sld [smem:$0x3FB4]  }
0x2e: {  	s3 =	simm.s32 @!p0 $0x1082;
	s9 =	sld [smem:$0x3FB5]  }
0x2f: {  	lr =	sadd.s32 s0, s3;
	s0 =	sld [smem:$0x3FAC]  }
0x30: {  	s3 =	sld [smem:$0x3FAF]  }
0x31: {  	[smem:$0x3FB8] =	sst s10  }
0x32: {  	s10 =	sld [smem:$0x3FB6];
	_ =	sdelay $0x3  }
0x33: {  	p0 =	seq.s32 s10, $0x1;
	s10 =	sld [smem:$0x3FB8];
	_ =	sdelay $0x3  }
0x34: {  	[smem:$0x3FB8] =	sst s10  }
0x35: {  	s10 =	sld [smem:$0x3FB7];
	_ =	sdelay $0x3  }
0x36: {  	p1 =	seq.s32 s10, $0x1;
	s10 =	sld [smem:$0x3FB8];
	_ =	sdelay $0x3  }
0x37: {  	[smem:$0x3FB8] =	sst s10  }
0x38: {  	s10 =	sld [smem:$0x3FB9]  }
0x39: {  	_ = 	snop;
	(pc) =	sbr.ind lr, $3  }
0x3a: {  	_ = 	snop  }
0x3b: {  	_ = 	snop  }
0x3c: {  	p2 =	seq.s32 s10, $0x1;
	s10 =	sld [smem:$0x3FB8]  }
0x3d: {  	_ =	shalt  }
0x3e: {  	_ =	shalt  }
0x3f: {  	_ =	shalt  }
0x40: {  	_ =	shalt  }
0x41: {  	_ =	shalt  }
0x42: {  	_ =	shalt  }
0x43: {  	_ =	shalt  }
0x44: {  	_ =	shalt  }
0x45: {  	_ =	shalt  }
0x46: {  	_ =	shalt  }
0x47: {  	_ =	shalt  }
0x48: {  	_ =	shalt  }
0x49: {  	_ =	shalt  }
0x4a: {  	_ =	shalt  }
0x4b: {  	_ =	shalt  }
0x4c: {  	_ =	shalt  }
0x4d: {  	_ =	shalt  }
0x4e: {  	_ =	shalt  }
0x4f: {  	_ =	shalt  }
0x50: {  	_ =	shalt  }
0x51: {  	_ =	shalt  }
0x52: {  	_ =	shalt  }
0x53: {  	_ =	shalt  }
0x54: {  	_ =	shalt  }
0x55: {  	_ =	shalt  }
0x56: {  	_ =	shalt  }
0x57: {  	_ =	shalt  }
0x58: {  	_ =	shalt  }
0x59: {  	_ =	shalt  }
0x5a: {  	_ =	shalt  }
0x5b: {  	_ =	shalt  }
0x5c: {  	_ =	shalt  }
0x5d: {  	_ =	shalt  }
0x5e: {  	_ =	shalt  }
0x5f: {  	_ =	shalt  }
0x60: {  	_ =	shalt  }
0x61: {  	_ =	shalt  }
0x62: {  	_ =	shalt  }
0x63: {  	_ =	shalt  }
0x64: {  	_ =	shalt  }
0x65: {  	_ =	shalt  }
0x66: {  	_ =	shalt  }
0x67: {  	_ =	shalt  }
0x68: {  	_ =	shalt  }
0x69: {  	_ =	shalt  }
0x6a: {  	_ =	shalt  }
0x6b: {  	_ =	shalt  }
0x6c: {  	_ =	shalt  }
0x6d: {  	_ =	shalt  }
0x6e: {  	_ =	shalt  }
0x6f: {  	_ =	shalt  }
0x70: {  	_ =	shalt  }
0x71: {  	_ =	shalt  }
0x72: {  	_ =	shalt  }
0x73: {  	_ =	shalt  }
0x74: {  	_ =	shalt  }
0x75: {  	_ =	shalt  }
0x76: {  	_ =	shalt  }
0x77: {  	_ =	shalt  }
0x78: {  	_ =	shalt  }
0x79: {  	_ =	shalt  }
0x7a: {  	_ =	shalt  }
0x7b: {  	_ =	shalt  }
0x7c: {  	_ =	shalt  }
0x7d: {  	_ =	shalt  }
0x7e: {  	_ =	shalt  }
0x7f: {  	_ =	shalt  }
0x80: {  	_ =	shalt  }
0x81: {  	_ =	shalt  }
0x82: {  	_ =	shalt  }
0x83: {  	_ =	shalt  }
0x84: {  	_ =	shalt  }
0x85: {  	_ =	shalt  }
0x86: {  	_ =	shalt  }
0x87: {  	_ =	shalt  }
.Lfunc_end0:
.L_simem_size_0:
called_computation_lowered:
.L_overlay_start_0:
0x88: {  	s2 =	sld [smem:$0x3FD9]  }
0x89: {  	s3 =	sld [smem:$0x3FFE];
	_ =	sdelay $0x1  }
0x8a: {  	s1 =	srdreg.scid  }
0x8b: {  	s0 =	sand.u32 $0x1, s1  }
0x8c: {  	s17 =	sshll.u32 s0, $0xA;
	s2 =	sadd.s32 s3, s2  }
0x8d: {  	s2 =	sadd.s32 s2, s17  }
0x8e: {  	[smem:$0x3FC4] =	sst s2  }
0x8f: {  	_ = 	snop  }
0x90: {  	s2 =	sld [smem:$0x3FC9]  }
0x91: {  	s18 =	sld [smem:$0x3FD0];
	(tm) =	ssettm $0x1  }
0x92: {  	s4 =	sld [smem:$0x3FFB];
	_ =	sdelay $0x3  }
0x93: {  	_ =	strace s4  }
0x94: {  	s4 =	sld [smem:$0x3FFC];
	_ =	sdelay $0x3  }
0x95: {  	_ =	strace s4  }
0x96: {  	s4 =	sld [smem:$0x3FFD];
	_ =	sdelay $0x3  }
0x97: {  	_ =	strace s4  }
0x98: {  	_ =	strace $0x8FFFFFFF  }
0x99: {  	s19 =	sld [smem:$0x3FDB];
	_ =	sdelay $0x1  }
0x9a: {  	s5 =	simm.s32 $_scs_section_size  }
0x9b: {  	s6 =	simm.s32 $_size__tile_overlayer_lowered;
	s7 =	simm.s32 $_tile_overlayer_lowered  }
0x9c: {  	s22 =	simm.s32 $0x1BFF;
	s21 =	sshll.u32 s7, $0x1;
	s4 =	sadd.s32 s5, s19  }
0x9d: {  	s8 =	simm.s32 $0x0;
	s20 =	sshll.u32 s6, $0x1;
	s6 =	sadd.s32 s21, s4  }
0x9e: {  	[timem:s8], [sflag:s22] =	dma.local [hbm:s6], s20  }
0x9f: {  	_ =	swait.ge [sflag:s22], s20  }
0xa0: {  	s5 =	ssub.s32 $0x0, s20;
	[sflag:s22] =	ssyncset.done $0x0  }
0xa1: {  	[sflag:s22] =	ssyncadd.s32 s5;
	_ =	sdelay $0x1  }
0xa2: {  	s23 =	simm.s32 $0x1B8B  }
0xa3: {  	_ =	swait.ge [sflag:s23], $0x1  }
0xa4: {  	[sflag:s23] =	ssyncset.done $0x0  }
0xa5: {  	s25 =	simm.s32 $0x1B8E;
	s24 =	sld [smem:$0x3FFE];
	[sflag:s23] =	ssyncadd.s32 $0xFFFFFFFF  }
0xa6: {  	s26 =	simm.s32 $execute0_lowered;
	[smem:$0x3FD2] =	sst s25  }
0xa7: {  	s6 =	sshll.u32 s26, $0x1;
	_ =	strace $0x80000046;
	[dreg:$0x1] =	wrdreg $0xFFFFFFFF  }
0xa8: {  	s28 =	simm.s32 $_size_execute0_lowered;
	s4 =	sadd.s32 s4, s6;
	[dreg:$0x0] =	wrdreg $0x0  }
0xa9: {  	s6 =	sshll.u32 s28, $0x1;
	[dreg:$0x2] =	wrdreg s4  }
0xaa: {  	[dreg:$0x3] =	wrdreg s6  }
0xab: {  	[dreg:$0x4] =	wrdreg $0xC0  }
0xac: {  	_ =	task [dreg:s8], $0x5FFFF  }
0xad: {  	[dreg:$0x1] =	wrdreg $0xFFFFFFFF  }
0xae: {  	[dreg:$0x0] =	wrdreg $0x60  }
0xaf: {  	[dreg:$0x2] =	wrdreg s24  }
0xb0: {  	[dreg:$0x3] =	wrdreg s18  }
0xb1: {  	[dreg:$0x4] =	wrdreg s2  }
0xb2: {  	[dreg:$0x5] =	wrdreg $0x9E200  }
0xb3: {  	[dreg:$0x6] =	wrdreg $0x9  }
0xb4: {  	_ =	task.clear_ibuf [dreg:s8], $0x7FFFF;
	_ =	strace $0x90000046  }
0xb5: {  	s29 =	simm.s32 $0x9;
	_ =	strace $0x80000048  }
0xb6: {  	_ =	swait.ge [sflag:s29], $0x1  }
0xb7: {  	[sflag:s29] =	ssyncadd.s32 $0xFFFFFFFF  }
0xb8: {  	_ =	strace $0x90000048  }
0xb9: {  	_ =	sfence  }
0xba: {  	s30 =	sld [smem:$0x0];
	_ =	sdelay $0x2  }
0xbb: {  	s31 =	sshll.u32 s1, $0xD;
	s1 =	sshrl.u32 s1, $0x2  }
0xbc: {  	s3 =	sand.u32 $0x4000, s31;
	s1 =	sadd.s32 s1, s30  }
0xbd: {  	s0 =	sor.u32 s3, s0;
	s1 =	sshll.u32 s1, $0x11  }
0xbe: {  	s0 =	sor.u32 s1, s0  }
0xbf: {  	s0 =	sadd.s32 $0x8F2B, s0  }
0xc0: {  	[sflag:s0] =	ssyncadd.remote.s32 $0x1  }
0xc1: {  	_ =	sfence.sel $0xFFFF  }
0xc2: {  	[dreg:$0x0] =	wrdreg $0xFFFFFFFF;
	(pc) =	sbr.abs _section_cstart, $3  }
0xc3: {  	[dreg:$0x1] =	wrdreg $0xFFFFFFFF  }
0xc4: {  	_ =	task.clear_ibuf [dreg:s8], $0x2FFFF;
	_ =	strace $0x9FFFFFFF  }
0xc5: {  	(tm) =	ssettm $0x7FFFFFFF  }
tec
execute0_lowered:
.L_overlay_start_1:
0x0: {  	(tag) =	ssettag $0x1  }
0x1: {  	s0 =	rddreg [dreg:$0x0]  }
0x2: {  	s1 =	rddreg [dreg:$0x1];
	s3 =	srdreg.scid  }
0x3: {  	s2 =	rddreg [dreg:$0x2];
	s7 =	stileid.u32  }
0x4: {  	s4 =	simm.s32 $0x0;
	s29 =	simm.s32 $0x50;
	s30 =	simm.s32 $0x7620  }
0x5: {  	s31 =	simm.s32 $0x1;
	s5 =	sand.u32 $0x1, s3;
	s3 =	rddreg [dreg:$0x3]  }
0x6: {  	[smem:$0x7FF] =	sst s4;
	s14 =	smul.u32 $0x14000, s7;
	s11 =	sadd.s32 $0xA000, s0  }
0x7: {  	s6 =	sshll.u32 s5, $0x4;
	_ =	strace $0x80000047;
	s10 =	ssub.s32 $0x2, s5  }
0x8: {  	[dreg:$0x5] =	wrdreg s11;
	s5 =	smul.u32 $0x140000, s5;
	s6 =	sor.u32 s7, s6  }
0x9: {  	s12 =	sshrl.u32 s10, $0x1;
	s16 =	sor.u32 $0x2800, s14;
	s17 =	sadd.s32 $0x5000, s14  }
0xa: {  	s18 =	sadd.s32 $0x7800, s14;
	s19 =	sadd.s32 $0xA000, s14;
	s20 =	sadd.s32 $0xC800, s14  }
0xb: {  	s21 =	sadd.s32 $0xF000, s14;
	s13 =	smul.u32 $0x4E2, s6;
	s24 =	ssub.s32 s10, s12  }
0xc: {  	s6 =	sadd.s32 s14, s3;
	s7 =	sadd.s32 s16, s3;
	s8 =	sadd.s32 s17, s3  }
0xd: {  	s9 =	sadd.s32 s18, s3;
	s10 =	sadd.s32 s19, s3;
	s11 =	sadd.s32 s20, s3  }
0xe: {  	s12 =	sadd.s32 s21, s3;
	s22 =	sadd.s32 s14, s5;
	s16 =	sadd.s32 s5, s16  }
0xf: {  	s23 =	sadd.s32 s5, s17;
	s25 =	sadd.s32 s5, s18;
	s19 =	sadd.s32 s5, s19  }
0x10: {  	s26 =	sadd.s32 s5, s20;
	s28 =	sadd.s32 s5, s21;
	s18 =	sshrl.u32 s22, $0x3  }
0x11: {  	s20 =	sshrl.u32 s16, $0x3;
	s21 =	sshrl.u32 s23, $0x3;
	s22 =	sshrl.u32 s25, $0x3  }
0x12: {  	s23 =	sshrl.u32 s19, $0x3;
	s25 =	sshrl.u32 s26, $0x3;
	s26 =	sshrl.u32 s28, $0x3  }
0x13: {  	s24 =	smax.u32 s24, $0x1;
	s28 =	simm.s32 $0x0;
	s15 =	sadd.s32 s13, s0  }
0x14: {  	s0 =	sadd.s32 $0xA600, s0;
	s1 =	sadd.s32 s1, s13;
	s13 =	sadd.s32 $0x11800, s14  }
0x15: {  	[dreg:$0x6] =	wrdreg s1;
	s5 =	sadd.s32 s5, s13;
	s14 =	sadd.s32 s13, s3  }
0x16: {  	s17 =	sadd.s32 $0x200, s15;
	s1 =	sadd.s32 s0, s18;
	s18 =	sadd.s32 s0, s21  }
0x17: {  	s19 =	sadd.s32 s0, s22;
	s21 =	sadd.s32 s0, s25;
	s22 =	sadd.s32 s0, s26  }
0x18: {  	s25 =	simm.s32 $0x4E20;
	s26 =	simm.s32 $0x3;
	[dreg:$0x7] =	wrdreg s17  }
0x19: {  	[dreg:$0x8] =	wrdreg s1;
	s17 =	sadd.s32 s0, s20;
	s5 =	sshrl.u32 s5, $0x3  }
0x1a: {  	s20 =	sadd.s32 s0, s23;
	s23 =	sadd.s32 s0, s5;
	s0 =	simm.s32 $0x2  }
.LBB2_1:
0x1b: {  	s1 =	rddreg [dreg:$0x5]  }
0x1c: {  	[tilespmem:s25], [sflag:$0x3] =	stream.linear.gather [hbm4b:s1+s4], $0x2800, $0x38;
	[tilespmem:$0x1DE20] =	vst v63  }
0x1d: {  	_ =	swait.ge [sflag:s26], $0x2800  }
0x1e: {  	[sflag:s26] =	ssyncset.done $0x0  }
0x1f: {  	[sflag:s26] =	ssyncadd.s32 $0xFFFFD800  }
0x20: {  	[spmem:s6] =	stream.linear.scatter [tilespmem:s25], [sflag:$0x3], $0x2800, $0x38;
	[tilespmem:$0x1DE20] =	vst v63  }
0x21: {  	_ =	swait.ge [sflag:s26], $0x2800  }
0x22: {  	[sflag:s26] =	ssyncset.done $0x0  }
0x23: {  	[sflag:s26] =	ssyncadd.s32 $0xFFFFD800  }
0x24: {  	[spmem:s7] =	stream.linear.scatter [tilespmem:s25], [sflag:$0x3], $0x2800, $0x38;
	[tilespmem:$0x1DE20] =	vst v63  }
0x25: {  	_ =	swait.ge [sflag:s26], $0x2800  }
0x26: {  	[sflag:s26] =	ssyncset.done $0x0  }
0x27: {  	[sflag:s26] =	ssyncadd.s32 $0xFFFFD800  }
0x28: {  	[spmem:s8] =	stream.linear.scatter [tilespmem:s25], [sflag:$0x3], $0x2800, $0x38;
	[tilespmem:$0x1DE20] =	vst v63  }
0x29: {  	_ =	swait.ge [sflag:s26], $0x2800  }
0x2a: {  	[sflag:s26] =	ssyncset.done $0x0  }
0x2b: {  	[sflag:s26] =	ssyncadd.s32 $0xFFFFD800  }
0x2c: {  	[spmem:s9] =	stream.linear.scatter [tilespmem:s25], [sflag:$0x3], $0x2800, $0x38;
	[tilespmem:$0x1DE20] =	vst v63  }
0x2d: {  	_ =	swait.ge [sflag:s26], $0x2800  }
0x2e: {  	[sflag:s26] =	ssyncset.done $0x0  }
0x2f: {  	[sflag:s26] =	ssyncadd.s32 $0xFFFFD800  }
0x30: {  	[spmem:s10] =	stream.linear.scatter [tilespmem:s25], [sflag:$0x3], $0x2800, $0x38;
	[tilespmem:$0x1DE20] =	vst v63  }
0x31: {  	_ =	swait.ge [sflag:s26], $0x2800  }
0x32: {  	[sflag:s26] =	ssyncset.done $0x0  }
0x33: {  	[sflag:s26] =	ssyncadd.s32 $0xFFFFD800  }
0x34: {  	[spmem:s11] =	stream.linear.scatter [tilespmem:s25], [sflag:$0x3], $0x2800, $0x38;
	[tilespmem:$0x1DE20] =	vst v63  }
0x35: {  	_ =	swait.ge [sflag:s26], $0x2800  }
0x36: {  	[sflag:s26] =	ssyncset.done $0x0  }
0x37: {  	[sflag:s26] =	ssyncadd.s32 $0xFFFFD800  }
0x38: {  	[spmem:s12] =	stream.linear.scatter [tilespmem:s25], [sflag:$0x3], $0x2800, $0x38;
	[tilespmem:$0x1DE20] =	vst v63  }
0x39: {  	_ =	swait.ge [sflag:s26], $0x2800  }
0x3a: {  	[sflag:s26] =	ssyncset.done $0x0  }
0x3b: {  	[sflag:s26] =	ssyncadd.s32 $0xFFFFD800  }
0x3c: {  	[spmem:s14] =	stream.linear.scatter [tilespmem:s25], [sflag:$0x3], $0x2800, $0x38;
	[tilespmem:$0x1DE20] =	vst v63  }
0x3d: {  	_ =	swait.ge [sflag:s26], $0x2800  }
0x3e: {  	[sflag:s26] =	ssyncset.done $0x0  }
0x3f: {  	[sflag:s26] =	ssyncadd.s32 $0xFFFFD800  }
0x40: {  	[bflag:$0x0] =	sbarrier.arrive $0xFFFF  }
0x41: {  	s15 =	rddreg [dreg:$0x7]  }
0x42: {  	[tilespmem:s4], [sflag:$0x3] =	stream.linear.gather [hbm4b:s15+s4], $0x2710, $0x38;
	[tilespmem:$0x1DE20] =	vst v63  }
0x43: {  	_ =	swait.ge [sflag:s26], $0x2710  }
0x44: {  	[sflag:s26] =	ssyncset.done $0x0  }
0x45: {  	s5 =	simm.s32 $0x2710;
	s16 =	rddreg [dreg:$0x6];
	[sflag:s26] =	ssyncadd.s32 $0xFFFFD8F0  }
0x46: {  	[tilespmem:s5], [sflag:$0x3] =	stream.linear.gather [hbm4b:s16+s4], $0x2710, $0x38;
	[tilespmem:$0x1DE20] =	vst v63  }
0x47: {  	_ =	swait.ge [sflag:s26], $0x2710  }
0x48: {  	[sflag:s26] =	ssyncset.done $0x0  }
0x49: {  	[sflag:s26] =	ssyncadd.s32 $0xFFFFD8F0  }
0x4a: {  	[tilespmem:s25], [sflag:$0x1] =	stream.indirect.gather [hbm4b:s2+s29], $0x80, s4, s29, $0xb8;
	[tilespmem:$0x1DE20] =	vst v63  }
0x4b: {  	s5 =	simm.s32 $0x50  }
0x4c: {  	[tilespmem:s30], [sflag:$0x2] =	stream.indirect.gather [hbm4b:s2+s29], $0x80, s5, s29, $0xb8;
	[tilespmem:$0x1DE20] =	vst v63  }
0x4d: {  	_ =	swait.ge [sflag:s31], $0x2800  }
0x4e: {  	[sflag:s31] =	ssyncset.done $0x0  }
0x4f: {  	s13 =	simm.s32 $0x2710;
	[sflag:s31] =	ssyncadd.s32 $0xFFFFD800  }
0x50: {  	[spmem:s3] =	stream.indirect.scatter.add.f32 [tilespmem:s25], [sflag:$0x3], $0x80, s13, s29, $0xb8;
	[tilespmem:$0x1DE20] =	vst v63  }
0x51: {  	_ =	swait.ge [sflag:s26], $0x2800  }
0x52: {  	[sflag:s26] =	ssyncset.done $0x0  }
0x53: {  	s15 =	simm.s32 $0xA0;
	[sflag:s26] =	ssyncadd.s32 $0xFFFFD800  }
0x54: {  	[tilespmem:s25], [sflag:$0x1] =	stream.indirect.gather [hbm4b:s2+s29], $0x80, s15, s29, $0xb8;
	[tilespmem:$0x1DE20] =	vst v63  }
0x55: {  	_ =	swait.ge [sflag:s0], $0x2800  }
0x56: {  	[sflag:s0] =	ssyncset.done $0x0  }
0x57: {  	s16 =	simm.s32 $0x2760;
	[sflag:s0] =	ssyncadd.s32 $0xFFFFD800  }
0x58: {  	[spmem:s3] =	stream.indirect.scatter.add.f32 [tilespmem:s30], [sflag:$0x3], $0x80, s16, s29, $0xb8;
	[tilespmem:$0x1DE20] =	vst v63  }
0x59: {  	_ =	swait.ge [sflag:s26], $0x2800  }
0x5a: {  	s1 =	simm.s32 $0xA0;
	s5 =	simm.s32 $0x500;
	[sflag:s26] =	ssyncset.done $0x0  }
.LBB2_2:
0x5b: {  	s13 =	sadd.s32 $0x50, s1  }
0x5c: {  	[sflag:s26] =	ssyncadd.s32 $0xFFFFD800;
	s15 =	smov.u32 s5;
	s16 =	sadd.s32 $0x280, s5  }
0x5d: {  	[tilespmem:s30], [sflag:$0x2] =	stream.indirect.gather [hbm4b:s2+s29], $0x80, s13, s29, $0xb8;
	[tilespmem:$0x1DE20] =	vst v63  }
0x5e: {  	p0 =	sne.s32 s5, $0x9880;
	_ =	swait.ge [sflag:s31], $0x2800  }
0x5f: {  	[sflag:s31] =	ssyncset.done $0x0  }
0x60: {  	s5 =	sadd.s32 $0x2710, s1;
	[sflag:s31] =	ssyncadd.s32 $0xFFFFD800  }
0x61: {  	[spmem:s3] =	stream.indirect.scatter.add.f32 [tilespmem:s25], [sflag:$0x3], $0x80, s5, s29, $0xb8;
	[tilespmem:$0x1DE20] =	vst v63  }
0x62: {  	_ =	swait.ge [sflag:s26], $0x2800  }
0x63: {  	[sflag:s26] =	ssyncset.done $0x0  }
0x64: {  	s5 =	sadd.s32 $0xA0, s1;
	[sflag:s26] =	ssyncadd.s32 $0xFFFFD800  }
0x65: {  	[tilespmem:s25], [sflag:$0x1] =	stream.indirect.gather [hbm4b:s2+s29], $0x80, s5, s29, $0xb8;
	[tilespmem:$0x1DE20] =	vst v63  }
0x66: {  	_ =	swait.ge [sflag:s0], $0x2800  }
.Ltmp0:
0x67: {  	[sflag:s0] =	ssyncset.done $0x0;
	(pc) =	sbr.rel @p0 .LBB2_2-.Ltmp0, $4  }
0x68: {  	s1 =	sadd.s32 $0x2760, s1;
	[sflag:s0] =	ssyncadd.s32 $0xFFFFD800  }
0x69: {  	[spmem:s3] =	stream.indirect.scatter.add.f32 [tilespmem:s30], [sflag:$0x3], $0x80, s1, s29, $0xb8;
	[tilespmem:$0x1DE20] =	vst v63  }
0x6a: {  	_ =	swait.ge [sflag:s26], $0x2800  }
0x6b: {  	s5 =	smov.u32 s16;
	s1 =	sshra.s32 s15, $0x2;
	[sflag:s26] =	ssyncset.done $0x0  }
0x6c: {  	s5 =	sadd.s32 $0x50, s1;
	[sflag:s26] =	ssyncadd.s32 $0xFFFFD800  }
0x6d: {  	[tilespmem:s30], [sflag:$0x2] =	stream.indirect.gather [hbm4b:s2+s29], $0x80, s5, s29, $0xb8;
	[tilespmem:$0x1DE20] =	vst v63  }
0x6e: {  	_ =	swait.ge [sflag:s31], $0x2800  }
0x6f: {  	[sflag:s31] =	ssyncset.done $0x0  }
0x70: {  	s15 =	sadd.s32 $0x2710, s1;
	[sflag:s31] =	ssyncadd.s32 $0xFFFFD800  }
0x71: {  	[spmem:s3] =	stream.indirect.scatter.add.f32 [tilespmem:s25], [sflag:$0x3], $0x80, s15, s29, $0xb8;
	[tilespmem:$0x1DE20] =	vst v63  }
0x72: {  	_ =	swait.ge [sflag:s26], $0x2800  }
0x73: {  	[sflag:s26] =	ssyncset.done $0x0  }
0x74: {  	s16 =	sadd.s32 $0xA0, s1;
	[sflag:s26] =	ssyncadd.s32 $0xFFFFD800  }
0x75: {  	[tilespmem:s25], [sflag:$0x1] =	stream.indirect.gather [hbm4b:s2+s29], $0x80, s16, s29, $0xb8;
	[tilespmem:$0x1DE20] =	vst v63  }
0x76: {  	_ =	swait.ge [sflag:s0], $0x2800  }
0x77: {  	[sflag:s0] =	ssyncset.done $0x0  }
0x78: {  	s13 =	sadd.s32 $0x2760, s1;
	[sflag:s0] =	ssyncadd.s32 $0xFFFFD800  }
0x79: {  	[spmem:s3] =	stream.indirect.scatter.add.f32 [tilespmem:s30], [sflag:$0x3], $0x80, s13, s29, $0xb8;
	[tilespmem:$0x1DE20] =	vst v63  }
0x7a: {  	_ =	swait.ge [sflag:s26], $0x2800  }
0x7b: {  	[sflag:s26] =	ssyncset.done $0x0  }
0x7c: {  	[sflag:s26] =	ssyncadd.s32 $0xFFFFD800  }
0x7d: {  	_ =	swait.ge [sflag:s31], $0x2800  }
0x7e: {  	[sflag:s31] =	ssyncset.done $0x0  }
0x7f: {  	s15 =	simm.s32 $0x4DD0;
	[sflag:s31] =	ssyncadd.s32 $0xFFFFD800  }
0x80: {  	[spmem:s3] =	stream.indirect.scatter.add.f32 [tilespmem:s25], [sflag:$0x3], $0x80, s15, s29, $0xb8;
	[tilespmem:$0x1DE20] =	vst v63  }
0x81: {  	_ =	swait.ge [sflag:s26], $0x2800  }
0x82: {  	[sflag:s26] =	ssyncset.done $0x0  }
0x83: {  	[sflag:s26] =	ssyncadd.s32 $0xFFFFD800  }
0x84: {  	[bflag:$0x0] =	sbarrier.arrive $0xFFFF  }
0x85: {  	[tilespmem:s25], [sflag:$0x3] =	stream.linear.gather [spmem:s6], $0x2800, $0x38;
	[tilespmem:$0x1DE20] =	vst v63  }
0x86: {  	_ =	swait.ge [sflag:s26], $0x2800  }
0x87: {  	[sflag:s26] =	ssyncset.done $0x0  }
0x88: {  	s16 =	rddreg [dreg:$0x8];
	[sflag:s26] =	ssyncadd.s32 $0xFFFFD800  }
0x89: {  	[hbm4b:s16+s4] =	stream.linear.scatter [tilespmem:s25], [sflag:$0x3], $0x2800, $0x38;
	[tilespmem:$0x1DE20] =	vst v63  }
0x8a: {  	_ =	swait.ge [sflag:s26], $0x2800  }
0x8b: {  	[sflag:s26] =	ssyncset.done $0x0  }
0x8c: {  	[sflag:s26] =	ssyncadd.s32 $0xFFFFD800  }
0x8d: {  	[tilespmem:s25], [sflag:$0x3] =	stream.linear.gather [spmem:s7], $0x2800, $0x38;
	[tilespmem:$0x1DE20] =	vst v63  }
0x8e: {  	_ =	swait.ge [sflag:s26], $0x2800  }
0x8f: {  	[sflag:s26] =	ssyncset.done $0x0  }
0x90: {  	[sflag:s26] =	ssyncadd.s32 $0xFFFFD800  }
0x91: {  	[hbm4b:s17+s4] =	stream.linear.scatter [tilespmem:s25], [sflag:$0x3], $0x2800, $0x38;
	[tilespmem:$0x1DE20] =	vst v63  }
0x92: {  	_ =	swait.ge [sflag:s26], $0x2800  }
0x93: {  	[sflag:s26] =	ssyncset.done $0x0  }
0x94: {  	[sflag:s26] =	ssyncadd.s32 $0xFFFFD800  }
0x95: {  	[tilespmem:s25], [sflag:$0x3] =	stream.linear.gather [spmem:s8], $0x2800, $0x38;
	[tilespmem:$0x1DE20] =	vst v63  }
0x96: {  	_ =	swait.ge [sflag:s26], $0x2800  }
0x97: {  	[sflag:s26] =	ssyncset.done $0x0  }
0x98: {  	[sflag:s26] =	ssyncadd.s32 $0xFFFFD800  }
0x99: {  	[hbm4b:s18+s4] =	stream.linear.scatter [tilespmem:s25], [sflag:$0x3], $0x2800, $0x38;
	[tilespmem:$0x1DE20] =	vst v63  }
0x9a: {  	_ =	swait.ge [sflag:s26], $0x2800  }
0x9b: {  	[sflag:s26] =	ssyncset.done $0x0  }
0x9c: {  	[sflag:s26] =	ssyncadd.s32 $0xFFFFD800  }
0x9d: {  	[tilespmem:s25], [sflag:$0x3] =	stream.linear.gather [spmem:s9], $0x2800, $0x38;
	[tilespmem:$0x1DE20] =	vst v63  }
0x9e: {  	_ =	swait.ge [sflag:s26], $0x2800  }
0x9f: {  	[sflag:s26] =	ssyncset.done $0x0  }
0xa0: {  	[sflag:s26] =	ssyncadd.s32 $0xFFFFD800  }
0xa1: {  	[hbm4b:s19+s4] =	stream.linear.scatter [tilespmem:s25], [sflag:$0x3], $0x2800, $0x38;
	[tilespmem:$0x1DE20] =	vst v63  }
0xa2: {  	_ =	swait.ge [sflag:s26], $0x2800  }
0xa3: {  	[sflag:s26] =	ssyncset.done $0x0  }
0xa4: {  	[sflag:s26] =	ssyncadd.s32 $0xFFFFD800  }
0xa5: {  	[tilespmem:s25], [sflag:$0x3] =	stream.linear.gather [spmem:s10], $0x2800, $0x38;
	[tilespmem:$0x1DE20] =	vst v63  }
0xa6: {  	_ =	swait.ge [sflag:s26], $0x2800  }
0xa7: {  	[sflag:s26] =	ssyncset.done $0x0  }
0xa8: {  	[sflag:s26] =	ssyncadd.s32 $0xFFFFD800  }
0xa9: {  	[hbm4b:s20+s4] =	stream.linear.scatter [tilespmem:s25], [sflag:$0x3], $0x2800, $0x38;
	[tilespmem:$0x1DE20] =	vst v63  }
0xaa: {  	_ =	swait.ge [sflag:s26], $0x2800  }
0xab: {  	[sflag:s26] =	ssyncset.done $0x0  }
0xac: {  	[sflag:s26] =	ssyncadd.s32 $0xFFFFD800  }
0xad: {  	[tilespmem:s25], [sflag:$0x3] =	stream.linear.gather [spmem:s11], $0x2800, $0x38;
	[tilespmem:$0x1DE20] =	vst v63  }
0xae: {  	_ =	swait.ge [sflag:s26], $0x2800  }
0xaf: {  	[sflag:s26] =	ssyncset.done $0x0  }
0xb0: {  	[sflag:s26] =	ssyncadd.s32 $0xFFFFD800  }
0xb1: {  	[hbm4b:s21+s4] =	stream.linear.scatter [tilespmem:s25], [sflag:$0x3], $0x2800, $0x38;
	[tilespmem:$0x1DE20] =	vst v63  }
0xb2: {  	_ =	swait.ge [sflag:s26], $0x2800  }
0xb3: {  	[sflag:s26] =	ssyncset.done $0x0  }
0xb4: {  	[sflag:s26] =	ssyncadd.s32 $0xFFFFD800  }
0xb5: {  	[tilespmem:s25], [sflag:$0x3] =	stream.linear.gather [spmem:s12], $0x2800, $0x38;
	[tilespmem:$0x1DE20] =	vst v63  }
0xb6: {  	_ =	swait.ge [sflag:s26], $0x2800  }
0xb7: {  	[sflag:s26] =	ssyncset.done $0x0  }
0xb8: {  	[sflag:s26] =	ssyncadd.s32 $0xFFFFD800  }
0xb9: {  	[hbm4b:s22+s4] =	stream.linear.scatter [tilespmem:s25], [sflag:$0x3], $0x2800, $0x38;
	[tilespmem:$0x1DE20] =	vst v63  }
0xba: {  	_ =	swait.ge [sflag:s26], $0x2800  }
0xbb: {  	[sflag:s26] =	ssyncset.done $0x0  }
0xbc: {  	[sflag:s26] =	ssyncadd.s32 $0xFFFFD800  }
0xbd: {  	[tilespmem:s25], [sflag:$0x3] =	stream.linear.gather [spmem:s14], $0x2800, $0x38;
	[tilespmem:$0x1DE20] =	vst v63  }
0xbe: {  	s28 =	sadd.s32 $0x1, s28;
	_ =	swait.ge [sflag:s26], $0x2800  }
0xbf: {  	p0 =	sne.s32 s28, s24;
	[sflag:s26] =	ssyncset.done $0x0  }
.Ltmp1:
0xc0: {  	[sflag:s26] =	ssyncadd.s32 $0xFFFFD800;
	(pc) =	sbr.rel @p0 .LBB2_1-.Ltmp1, $4  }
0xc1: {  	[hbm4b:s23+s4] =	stream.linear.scatter [tilespmem:s25], [sflag:$0x3], $0x2800, $0x38;
	[tilespmem:$0x1DE20] =	vst v63  }
0xc2: {  	_ =	swait.ge [sflag:s26], $0x2800  }
0xc3: {  	[sflag:s26] =	ssyncset.done $0x0  }
0xc4: {  	[sflag:s26] =	ssyncadd.s32 $0xFFFFD800  }
0xc5: {  	_ =	sfence.sel $0x180000  }
0xc6: {  	[bflag:$0x0] =	sbarrier.arrive $0xFFFF  }
0xc7: {  	_ =	strace $0x90000047  }
0xc8: {  	s0 =	stileid.u32;
	[bflag:$0x2] =	sbarrier.arrive $0xFFFF  }
0xc9: {  	p0 =	sne.s32 s0, $0x0;
	s0 =	rddreg [dreg:$0x4]  }
0xca: {  	s0 =	sadd.s32 @!p0 $0x100000, s0  }
0xcb: {  	[sflag:s0] =	ssyncadd.tile.s32 @!p0 $0x1;
	_ =	shalt  }
.Lfunc_end2:
_tile_overlayer_lowered:
.L_overlay_start_2:
0xcc: {  	(tag) =	ssettag $0x2  }
0xcd: {  	s0 =	rddreg [dreg:$0x0];
	s2 =	stileid.u32  }
0xce: {  	s1 =	rddreg [dreg:$0x1];
	p0 =	sne.s32 s2, $0x0  }
0xcf: {  	s3 =	rddreg [dreg:$0x2];
	[bflag:$0x3] =	sbarrier.arrive $0xFFFF;
	s2 =	simm.s32 @!p0 $0x1C03  }
0xd0: {  	[timem:s3], [sflag:s2] =	dma.local @!p0 [hbm:s0], s1  }
0xd1: {  	s0 =	simm.s32 @!p0 $0x3  }
0xd2: {  	_ =	swait.ge @!p0 [sflag:s0], s1  }
0xd3: {  	s1 =	ssub.s32 @!p0 $0x0, s1;
	[sflag:s0] =	ssyncset.done @!p0 $0x0  }
0xd4: {  	[sflag:s0] =	ssyncadd.s32 @!p0 s1  }
0xd5: {  	[bflag:$0x3] =	sbarrier.arrive $0xFFFF  }
0xd6: {  	_ =	shalt  }

</sc_bundles>
